<compile_context>
chip_gen: v7x
topology: tpu7x:2x2x1
jax: 0.10.2.dev20260603
libtpu: 0.0.44.dev20260713+nightly
codegen_flags: <defaults>
</compile_context>

<pallas_src>
import functools
import jax
import jax.numpy as jnp
from jax import lax
from jax.experimental import pallas as pl
from jax.experimental.pallas import tpu as pltpu
from jax.experimental.pallas import tpu_sc as plsc

SG = 16
NB = 256
NBUF = 4


@functools.lru_cache(maxsize=None)
def _build(N, S, P):
    mesh = plsc.VectorSubcoreMesh(core_axis_name="c", subcore_axis_name="s")
    NC = mesh.num_cores
    NS = mesh.num_subcores
    NW = NC * NS
    ngroups = S // SG
    gpw = ngroups // NW
    nblocks = N // NB
    scale = jnp.float32(P - 1)
    pmax = P - 1

    @functools.partial(
        pl.kernel,
        out_type=jax.ShapeDtypeStruct((N, S), jnp.float32),
        mesh=mesh,
        scratch_types=[
            pltpu.VMEM((SG, P + 9), jnp.float32),
            pltpu.VMEM((NBUF, NB, SG), jnp.float32),
            pltpu.VMEM((NBUF, NB, SG), jnp.float32),
            pltpu.SemaphoreType.DMA((NBUF,)),
            pltpu.SemaphoreType.DMA((NBUF,)),
        ],
        compiler_params=pltpu.CompilerParams(use_tc_tiling_on_sc=False,
                                             needs_layout_passes=False),
    )
    def k(t_hbm, f_hbm, out_hbm, table_v, t_v, o_v, sin, sout):
        wid = lax.axis_index("s") * NC + lax.axis_index("c")
        lane = lax.iota(jnp.int32, SG)

        def in_copy(b, slot, s0):
            return pltpu.make_async_copy(
                t_hbm.at[pl.ds(b * NB, NB), pl.ds(s0, SG)],
                t_v.at[slot], sin.at[slot])

        def out_copy(b, slot, s0):
            return pltpu.make_async_copy(
                o_v.at[slot],
                out_hbm.at[pl.ds(b * NB, NB), pl.ds(s0, SG)], sout.at[slot])

        for gi in range(gpw):
            g = wid * gpw + gi
            s0 = g * SG
            pltpu.sync_copy(f_hbm.at[pl.ds(s0, SG), :], table_v.at[:, pl.ds(8, P)])
            lo = plsc.load_gather(table_v, [lane, jnp.full((SG,), 8, jnp.int32)])
            plsc.store_scatter(table_v, [lane, jnp.full((SG,), 7, jnp.int32)], lo)
            hi = plsc.load_gather(table_v, [lane, jnp.full((SG,), P + 7, jnp.int32)])
            plsc.store_scatter(table_v, [lane, jnp.full((SG,), P + 8, jnp.int32)], hi)
            for pb in range(NBUF - 1):
                in_copy(pb, pb, s0).start()

            def block_body(b, carry, s0=s0):
                slot = lax.rem(b, NBUF)

                @pl.when(b + NBUF - 1 < nblocks)
                def _():
                    in_copy(b + NBUF - 1, lax.rem(b + NBUF - 1, NBUF), s0).start()

                in_copy(b, slot, s0).wait()

                @pl.when(b >= NBUF)
                def _():
                    out_copy(b - NBUF, slot, s0).wait()

                @plsc.parallel_loop(0, NB, 1, unroll=8)
                def row(i):
                    tv = t_v[slot, i]
                    tp = tv * scale
                    ii = tp.astype(jnp.int32)
                    u = tp - ii.astype(jnp.float32)
                    i0 = ii + 7
                    i1 = i0 + 1
                    i2 = i1 + 1
                    i3 = i2 + 1
                    g0 = plsc.load_gather(table_v, [lane, i0])
                    g1 = plsc.load_gather(table_v, [lane, i1])
                    g2 = plsc.load_gather(table_v, [lane, i2])
                    g3 = plsc.load_gather(table_v, [lane, i3])
                    u2 = u * u
                    u3 = u2 * u
                    c3 = u3 * jnp.float32(1.0 / 6.0)
                    c1 = 0.5 * u3 - u2 + jnp.float32(2.0 / 3.0)
                    c2 = 0.5 * (u2 + u - u3) + jnp.float32(1.0 / 6.0)
                    c0 = 1.0 - c1 - c2 - c3
                    res = c0 * g0 + c1 * g1 + c2 * g2 + c3 * g3
                    o_v[slot, i] = res

                out_copy(b, slot, s0).start()
                return carry

            lax.fori_loop(0, nblocks, block_body, 0)
            for tb in range(max(0, nblocks - NBUF), nblocks):
                out_copy(tb, tb % NBUF, s0).wait()

    return k


def kernel(t, features):
    N, S = t.shape
    P = features.shape[1]
    f2 = features.reshape(features.shape[0], P)
    return _build(N, S, P)(t, f2)

# --- scband reference (transcript-rebuilt; emitter-appended) ---
"""Pipeline reference for scband-bspline-cubic-66898410603212 (READ-ONLY COPY).

The authoritative reference and input builder live on the scoring server;
editing this copy changes nothing except your own understanding.
"""

import jax, jax.numpy as jnp
import numpy as np

WINDOW = 4

def bspline_coeffs(t):
    it = 1.0 - t
    t2 = t * t
    t3 = t2 * t
    coeffs = jnp.stack([it * it * it,
                        3 * t3 - 6 * t2 + 4,
                        -3 * t3 + 3 * t2 + 3 * t + 1,
                        t3], axis=-1)
    return coeffs / 6.0

def local_window(features, t, window=WINDOW, wrap=False):
    num_splines, num_points, num_features = features.shape
    num_samples = t.shape[0]
    scale = num_points if wrap else (num_points - 1)
    t_points = t.T * scale  # [S, N]
    start = jnp.floor(t_points)
    ranges = jnp.arange(window).reshape(1, 1, window)
    inds = start.astype(jnp.int32)[:, :, None] + ranges - 1  # [S, N, W]
    if wrap:
        inds = inds % num_points
    else:
        inds = jnp.clip(inds, 0, num_points - 1)
    inds = inds.reshape(num_splines, num_samples * window)
    gathered = jnp.take_along_axis(features, inds[:, :, None], axis=1)  # [S, N*W, F]
    gathered = gathered.reshape(num_splines, num_samples, window, num_features)
    return gathered, t_points - start

def cubic_bspline(features, t):
    coeffs = bspline_coeffs(t)  # [S, N, W]
    return (coeffs[..., None] * features).sum(-2)  # [S, N, F]

def setup_inputs(seed: int = 0) -> dict:
    key = jax.random.key(seed)
    k1, k2 = jax.random.split(key)
    t = jax.random.uniform(k1, (8192, 1024), dtype=jnp.float32)
    features = jax.random.normal(k2, (1024, 4096, 1), dtype=jnp.float32)
    return {"t": t, "features": features}

def reference(t, features):
    feats, local_t = local_window(features, t, window=WINDOW, wrap=False)
    out = cubic_bspline(feats, local_t)  # [S, N, F]
    out = jnp.transpose(out, (2, 1, 0))  # [F, N, S]
    return jnp.squeeze(out, axis=0)      # [N, S] since F == 1

if __name__ == "__main__":
    import jax
    _d = setup_inputs()
    print(jax.jit(kernel)(*tuple(_d.values())))

</pallas_src>

<mosaic_0001>
#map = affine_map<(d0, d1) -> (0, 0)>
#map1 = affine_map<(d0, d1) -> (0)>
module attributes {stable_mosaic.version = 14 : i64} {
  func.func @_rewritten_body(%arg0: i32, %arg1: i32, %arg2: memref<8192x1024xf32, #tpu.memory_space<hbm>>, %arg3: memref<1024x4096xf32, #tpu.memory_space<hbm>>, %arg4: memref<1xf32, #tpu.memory_space<hbm>>, %arg5: memref<8192x1024xf32, #tpu.memory_space<hbm>>, %arg6: memref<16x4105xf32, #tpu.memory_space<vmem>>, %arg7: memref<4x256x16xf32, #tpu.memory_space<vmem>>, %arg8: memref<4x256x16xf32, #tpu.memory_space<vmem>>, %arg9: memref<4x!tpu.dma_semaphore, #tpu.memory_space<semaphore_mem>>, %arg10: memref<4x!tpu.dma_semaphore, #tpu.memory_space<semaphore_mem>>) attributes {dimension_semantics = [#tpu.dimension_semantics<core_parallel>, #tpu.dimension_semantics<subcore_parallel>], iteration_bounds = array<i64: 2, 16>, scalar_prefetch = 0 : i64, scratch_operands = 5 : i64, tpu.core_type = #tpu.core_type<sc_vector_subcore>, window_params = [{transform_indices = #map}, {transform_indices = #map}, {transform_indices = #map1}, {transform_indices = #map}]} {
    %empty_ref3A = memref.alloca() : memref<16xf32, #tpu.memory_space<vmem>>
    "tpu.region"() ({
      %run_scoped3A = tpu.sem_alloc : memref<!tpu.dma_semaphore, #tpu.memory_space<semaphore_mem>>
      %dma_start3A_265 = arith.constant 0 : i32
      %dma_start3A_266 = tpu.memref_slice %empty_ref3A[%dma_start3A_265] : memref<16xf32, #tpu.memory_space<vmem>> -> memref<1xf32, #tpu.memory_space<vmem>>
      %dma_start3A_267 = arith.constant 0 : i32
      %dma_start3A_268 = tpu.memref_slice %empty_ref3A[%dma_start3A_267] : memref<16xf32, #tpu.memory_space<vmem>> -> memref<1xf32, #tpu.memory_space<vmem>>
      tpu.enqueue_dma source(%arg4 : memref<1xf32, #tpu.memory_space<hbm>>) target(%dma_start3A_268 : memref<1xf32, #tpu.memory_space<vmem>>) target_semaphore(%run_scoped3A : memref<!tpu.dma_semaphore, #tpu.memory_space<semaphore_mem>>)
      %dma_wait3A_269 = arith.constant 0 : i32
      %dma_wait3A_270 = tpu.memref_slice %empty_ref3A[%dma_wait3A_269] : memref<16xf32, #tpu.memory_space<vmem>> -> memref<1xf32, #tpu.memory_space<vmem>>
      %dma_wait3A_271 = arith.constant 0 : i32
      %dma_wait3A_272 = tpu.memref_slice %empty_ref3A[%dma_wait3A_271] : memref<16xf32, #tpu.memory_space<vmem>> -> memref<1xf32, #tpu.memory_space<vmem>>
      tpu.wait_dma2 semaphore(%run_scoped3A : memref<!tpu.dma_semaphore, #tpu.memory_space<semaphore_mem>>) src(%arg4 : memref<1xf32, #tpu.memory_space<hbm>>) dst(%dma_wait3A_272 : memref<1xf32, #tpu.memory_space<vmem>>)
      tpu.yield
    }) : () -> ()
    %get3A = arith.constant 0 : index
    %get3A_0 = tpu.vector_load %empty_ref3A[%get3A] {strides = array<i32>} : memref<16xf32, #tpu.memory_space<vmem>>, vector<16xf32>,
    %slice3A = vector.extract_strided_slice %get3A_0 {offsets = [0], sizes = [1], strides = [1]} : vector<16xf32> to vector<1xf32>
    %squeeze3A = vector.extract %slice3A[0] : f32 from vector<1xf32>
    %mul3A = arith.constant 2 : i32
    %mul3A_1 = arith.muli %arg1, %mul3A : i32
    %add3A = arith.addi %mul3A_1, %arg0 : i32
    %iota3A = tpu.iota {dimensions = array<i32: 0>} : vector<16xi32>
    %mul3A_2 = arith.constant 2 : i32
    %mul3A_3 = arith.muli %add3A, %mul3A_2 : i32
    %add3A_4 = arith.constant 0 : i32
    %add3A_5 = arith.addi %mul3A_3, %add3A_4 : i32
    %mul3A_6 = arith.constant 16 : i32
    %mul3A_7 = arith.muli %add3A_5, %mul3A_6 : i32
    "tpu.region"() ({
      %run_scoped3A = tpu.sem_alloc : memref<!tpu.dma_semaphore, #tpu.memory_space<semaphore_mem>>
      %dma_start3A_265 = arith.constant 0 : i32
      %dma_start3A_266 = arith.constant 8 : i32
      %dma_start3A_267 = tpu.memref_slice %arg6[%dma_start3A_265, %dma_start3A_266] : memref<16x4105xf32, #tpu.memory_space<vmem>> -> memref<16x4096xf32, #tpu.memory_space<vmem>>
      %dma_start3A_268 = arith.constant 0 : i32
      %dma_start3A_269 = tpu.memref_slice %arg3[%mul3A_7, %dma_start3A_268] : memref<1024x4096xf32, #tpu.memory_space<hbm>> -> memref<16x4096xf32, #tpu.memory_space<hbm>>
      %dma_start3A_270 = arith.constant 0 : i32
      %dma_start3A_271 = arith.constant 8 : i32
      %dma_start3A_272 = tpu.memref_slice %arg6[%dma_start3A_270, %dma_start3A_271] : memref<16x4105xf32, #tpu.memory_space<vmem>> -> memref<16x4096xf32, #tpu.memory_space<vmem>>
      %dma_start3A_273 = arith.constant 0 : i32
      %dma_start3A_274 = tpu.memref_slice %arg3[%mul3A_7, %dma_start3A_273] : memref<1024x4096xf32, #tpu.memory_space<hbm>> -> memref<16x4096xf32, #tpu.memory_space<hbm>>
      tpu.enqueue_dma source(%dma_start3A_274 : memref<16x4096xf32, #tpu.memory_space<hbm>>) target(%dma_start3A_272 : memref<16x4096xf32, #tpu.memory_space<vmem>>) target_semaphore(%run_scoped3A : memref<!tpu.dma_semaphore, #tpu.memory_space<semaphore_mem>>)
      %dma_wait3A_275 = arith.constant 0 : i32
      %dma_wait3A_276 = arith.constant 8 : i32
      %dma_wait3A_277 = tpu.memref_slice %arg6[%dma_wait3A_275, %dma_wait3A_276] : memref<16x4105xf32, #tpu.memory_space<vmem>> -> memref<16x4096xf32, #tpu.memory_space<vmem>>
      %dma_wait3A_278 = arith.constant 0 : i32
      %dma_wait3A_279 = tpu.memref_slice %arg3[%mul3A_7, %dma_wait3A_278] : memref<1024x4096xf32, #tpu.memory_space<hbm>> -> memref<16x4096xf32, #tpu.memory_space<hbm>>
      %dma_wait3A_280 = arith.constant 0 : i32
      %dma_wait3A_281 = arith.constant 8 : i32
      %dma_wait3A_282 = tpu.memref_slice %arg6[%dma_wait3A_280, %dma_wait3A_281] : memref<16x4105xf32, #tpu.memory_space<vmem>> -> memref<16x4096xf32, #tpu.memory_space<vmem>>
      %dma_wait3A_283 = arith.constant 0 : i32
      %dma_wait3A_284 = tpu.memref_slice %arg3[%mul3A_7, %dma_wait3A_283] : memref<1024x4096xf32, #tpu.memory_space<hbm>> -> memref<16x4096xf32, #tpu.memory_space<hbm>>
      tpu.wait_dma2 semaphore(%run_scoped3A : memref<!tpu.dma_semaphore, #tpu.memory_space<semaphore_mem>>) src(%dma_wait3A_284 : memref<16x4096xf32, #tpu.memory_space<hbm>>) dst(%dma_wait3A_282 : memref<16x4096xf32, #tpu.memory_space<vmem>>)
      tpu.yield
    }) : () -> ()
    %broadcast_in_dim3A = arith.constant 8 : i32
    %broadcast_in_dim3A_8 = vector.broadcast %broadcast_in_dim3A : i32 to vector<16xi32>
    %gather3A = tpu.vector_load_idx %arg6[%iota3A, %broadcast_in_dim3A_8] : memref<16x4105xf32, #tpu.memory_space<vmem>>[vector<16xi32>, vector<16xi32>], vector<16xf32>,
    %broadcast_in_dim3A_9 = arith.constant 7 : i32
    %broadcast_in_dim3A_10 = vector.broadcast %broadcast_in_dim3A_9 : i32 to vector<16xi32>
    tpu.vector_store_idx %arg6[%iota3A, %broadcast_in_dim3A_10], %gather3A : memref<16x4105xf32, #tpu.memory_space<vmem>>[vector<16xi32>, vector<16xi32>], vector<16xf32>,
    %broadcast_in_dim3A_11 = arith.constant 4103 : i32
    %broadcast_in_dim3A_12 = vector.broadcast %broadcast_in_dim3A_11 : i32 to vector<16xi32>
    %gather3A_13 = tpu.vector_load_idx %arg6[%iota3A, %broadcast_in_dim3A_12] : memref<16x4105xf32, #tpu.memory_space<vmem>>[vector<16xi32>, vector<16xi32>], vector<16xf32>,
    %broadcast_in_dim3A_14 = arith.constant 4104 : i32
    %broadcast_in_dim3A_15 = vector.broadcast %broadcast_in_dim3A_14 : i32 to vector<16xi32>
    tpu.vector_store_idx %arg6[%iota3A, %broadcast_in_dim3A_15], %gather3A_13 : memref<16x4105xf32, #tpu.memory_space<vmem>>[vector<16xi32>, vector<16xi32>], vector<16xf32>,
    %dma_start3A = arith.constant 0 : i32
    %dma_start3A_16 = arith.constant 0 : i32
    %dma_start3A_17 = arith.constant 0 : i32
    %dma_start3A_18 = arith.constant 0 : i32
    %dma_start3A_19 = tpu.memref_slice %arg7[%dma_start3A, %dma_start3A_17, %dma_start3A_18] : memref<4x256x16xf32, #tpu.memory_space<vmem>> -> memref<1x256x16xf32, #tpu.memory_space<vmem>>
    %dma_start3A_20 = tpu.memref_squeeze %dma_start3A_19 : memref<1x256x16xf32, #tpu.memory_space<vmem>> -> memref<256x16xf32, #tpu.memory_space<vmem>>
    %dma_start3A_21 = arith.constant 0 : i32
    %dma_start3A_22 = tpu.memref_slice %arg2[%dma_start3A_21, %mul3A_7] : memref<8192x1024xf32, #tpu.memory_space<hbm>> -> memref<256x16xf32, #tpu.memory_space<hbm>>
    %dma_start3A_23 = tpu.memref_slice %arg9[%dma_start3A_16] : memref<4x!tpu.dma_semaphore, #tpu.memory_space<semaphore_mem>> -> memref<1x!tpu.dma_semaphore, #tpu.memory_space<semaphore_mem>>
    %dma_start3A_24 = tpu.memref_squeeze %dma_start3A_23 : memref<1x!tpu.dma_semaphore, #tpu.memory_space<semaphore_mem>> -> memref<!tpu.dma_semaphore, #tpu.memory_space<semaphore_mem>>
    %dma_start3A_25 = arith.constant 0 : i32
    %dma_start3A_26 = arith.constant 0 : i32
    %dma_start3A_27 = tpu.memref_slice %arg7[%dma_start3A, %dma_start3A_25, %dma_start3A_26] : memref<4x256x16xf32, #tpu.memory_space<vmem>> -> memref<1x256x16xf32, #tpu.memory_space<vmem>>
    %dma_start3A_28 = tpu.memref_squeeze %dma_start3A_27 : memref<1x256x16xf32, #tpu.memory_space<vmem>> -> memref<256x16xf32, #tpu.memory_space<vmem>>
    %dma_start3A_29 = arith.constant 0 : i32
    %dma_start3A_30 = tpu.memref_slice %arg2[%dma_start3A_29, %mul3A_7] : memref<8192x1024xf32, #tpu.memory_space<hbm>> -> memref<256x16xf32, #tpu.memory_space<hbm>>
    tpu.enqueue_dma source(%dma_start3A_30 : memref<256x16xf32, #tpu.memory_space<hbm>>) target(%dma_start3A_28 : memref<256x16xf32, #tpu.memory_space<vmem>>) target_semaphore(%dma_start3A_24 : memref<!tpu.dma_semaphore, #tpu.memory_space<semaphore_mem>>)
    %dma_start3A_31 = arith.constant 1 : i32
    %dma_start3A_32 = arith.constant 1 : i32
    %dma_start3A_33 = arith.constant 0 : i32
    %dma_start3A_34 = arith.constant 0 : i32
    %dma_start3A_35 = tpu.memref_slice %arg7[%dma_start3A_31, %dma_start3A_33, %dma_start3A_34] : memref<4x256x16xf32, #tpu.memory_space<vmem>> -> memref<1x256x16xf32, #tpu.memory_space<vmem>>
    %dma_start3A_36 = tpu.memref_squeeze %dma_start3A_35 : memref<1x256x16xf32, #tpu.memory_space<vmem>> -> memref<256x16xf32, #tpu.memory_space<vmem>>
    %dma_start3A_37 = arith.constant 256 : i32
    %dma_start3A_38 = tpu.memref_slice %arg2[%dma_start3A_37, %mul3A_7] : memref<8192x1024xf32, #tpu.memory_space<hbm>> -> memref<256x16xf32, #tpu.memory_space<hbm>>
    %dma_start3A_39 = tpu.memref_slice %arg9[%dma_start3A_32] : memref<4x!tpu.dma_semaphore, #tpu.memory_space<semaphore_mem>> -> memref<1x!tpu.dma_semaphore, #tpu.memory_space<semaphore_mem>>
    %dma_start3A_40 = tpu.memref_squeeze %dma_start3A_39 : memref<1x!tpu.dma_semaphore, #tpu.memory_space<semaphore_mem>> -> memref<!tpu.dma_semaphore, #tpu.memory_space<semaphore_mem>>
    %dma_start3A_41 = arith.constant 0 : i32
    %dma_start3A_42 = arith.constant 0 : i32
    %dma_start3A_43 = tpu.memref_slice %arg7[%dma_start3A_31, %dma_start3A_41, %dma_start3A_42] : memref<4x256x16xf32, #tpu.memory_space<vmem>> -> memref<1x256x16xf32, #tpu.memory_space<vmem>>
    %dma_start3A_44 = tpu.memref_squeeze %dma_start3A_43 : memref<1x256x16xf32, #tpu.memory_space<vmem>> -> memref<256x16xf32, #tpu.memory_space<vmem>>
    %dma_start3A_45 = arith.constant 256 : i32
    %dma_start3A_46 = tpu.memref_slice %arg2[%dma_start3A_45, %mul3A_7] : memref<8192x1024xf32, #tpu.memory_space<hbm>> -> memref<256x16xf32, #tpu.memory_space<hbm>>
    tpu.enqueue_dma source(%dma_start3A_46 : memref<256x16xf32, #tpu.memory_space<hbm>>) target(%dma_start3A_44 : memref<256x16xf32, #tpu.memory_space<vmem>>) target_semaphore(%dma_start3A_40 : memref<!tpu.dma_semaphore, #tpu.memory_space<semaphore_mem>>)
    %dma_start3A_47 = arith.constant 2 : i32
    %dma_start3A_48 = arith.constant 2 : i32
    %dma_start3A_49 = arith.constant 0 : i32
    %dma_start3A_50 = arith.constant 0 : i32
    %dma_start3A_51 = tpu.memref_slice %arg7[%dma_start3A_47, %dma_start3A_49, %dma_start3A_50] : memref<4x256x16xf32, #tpu.memory_space<vmem>> -> memref<1x256x16xf32, #tpu.memory_space<vmem>>
    %dma_start3A_52 = tpu.memref_squeeze %dma_start3A_51 : memref<1x256x16xf32, #tpu.memory_space<vmem>> -> memref<256x16xf32, #tpu.memory_space<vmem>>
    %dma_start3A_53 = arith.constant 512 : i32
    %dma_start3A_54 = tpu.memref_slice %arg2[%dma_start3A_53, %mul3A_7] : memref<8192x1024xf32, #tpu.memory_space<hbm>> -> memref<256x16xf32, #tpu.memory_space<hbm>>
    %dma_start3A_55 = tpu.memref_slice %arg9[%dma_start3A_48] : memref<4x!tpu.dma_semaphore, #tpu.memory_space<semaphore_mem>> -> memref<1x!tpu.dma_semaphore, #tpu.memory_space<semaphore_mem>>
    %dma_start3A_56 = tpu.memref_squeeze %dma_start3A_55 : memref<1x!tpu.dma_semaphore, #tpu.memory_space<semaphore_mem>> -> memref<!tpu.dma_semaphore, #tpu.memory_space<semaphore_mem>>
    %dma_start3A_57 = arith.constant 0 : i32
    %dma_start3A_58 = arith.constant 0 : i32
    %dma_start3A_59 = tpu.memref_slice %arg7[%dma_start3A_47, %dma_start3A_57, %dma_start3A_58] : memref<4x256x16xf32, #tpu.memory_space<vmem>> -> memref<1x256x16xf32, #tpu.memory_space<vmem>>
    %dma_start3A_60 = tpu.memref_squeeze %dma_start3A_59 : memref<1x256x16xf32, #tpu.memory_space<vmem>> -> memref<256x16xf32, #tpu.memory_space<vmem>>
    %dma_start3A_61 = arith.constant 512 : i32
    %dma_start3A_62 = tpu.memref_slice %arg2[%dma_start3A_61, %mul3A_7] : memref<8192x1024xf32, #tpu.memory_space<hbm>> -> memref<256x16xf32, #tpu.memory_space<hbm>>
    tpu.enqueue_dma source(%dma_start3A_62 : memref<256x16xf32, #tpu.memory_space<hbm>>) target(%dma_start3A_60 : memref<256x16xf32, #tpu.memory_space<vmem>>) target_semaphore(%dma_start3A_56 : memref<!tpu.dma_semaphore, #tpu.memory_space<semaphore_mem>>)
    %scan3A = arith.constant 0 : i32
    %scan3A_63 = arith.constant 0 : i32
    %scan3A_64 = arith.constant 32 : i32
    %scan3A_65 = arith.addi %scan3A_63, %scan3A_64 : i32
    %scan3A_66 = arith.constant 1 : i32
    scf.for %scan3A_265 = %scan3A_63 to %scan3A_65 step %scan3A_66  : i32 {
      %rem3A = arith.constant 4 : i32
      %rem3A_266 = arith.remsi %scan3A_265, %rem3A : i32
      %add3A_267 = arith.constant 4 : i32
      %add3A_268 = arith.addi %scan3A_265, %add3A_267 : i32
      %sub3A = arith.constant 1 : i32
      %sub3A_269 = arith.subi %add3A_268, %sub3A : i32
      %lt3A = arith.constant 32 : i32
      %lt3A_270 = arith.cmpi slt, %sub3A_269, %lt3A : i32
      %convert_element_type3A = arith.extui %lt3A_270 : i1 to i32
      %cond3A = arith.constant 0 : i32
      %cond3A_271 = arith.cmpi ne, %convert_element_type3A, %cond3A : i32
      scf.if %cond3A_271 {
        %add3A_306 = arith.constant 4 : i32
        %add3A_307 = arith.addi %scan3A_265, %add3A_306 : i32
        %sub3A_308 = arith.constant 1 : i32
        %sub3A_309 = arith.subi %add3A_307, %sub3A_308 : i32
        %add3A_310 = arith.constant 4 : i32
        %add3A_311 = arith.addi %scan3A_265, %add3A_310 : i32
        %sub3A_312 = arith.constant 1 : i32
        %sub3A_313 = arith.subi %add3A_311, %sub3A_312 : i32
        %rem3A_314 = arith.constant 4 : i32
        %rem3A_315 = arith.remsi %sub3A_313, %rem3A_314 : i32
        %mul3A_316 = arith.constant 256 : i32
        %mul3A_317 = arith.muli %sub3A_309, %mul3A_316 : i32
        %dma_start3A_318 = arith.constant 0 : i32
        %dma_start3A_319 = arith.constant 0 : i32
        %dma_start3A_320 = tpu.memref_slice %arg7[%rem3A_315, %dma_start3A_318, %dma_start3A_319] : memref<4x256x16xf32, #tpu.memory_space<vmem>> -> memref<1x256x16xf32, #tpu.memory_space<vmem>>
        %dma_start3A_321 = tpu.memref_squeeze %dma_start3A_320 : memref<1x256x16xf32, #tpu.memory_space<vmem>> -> memref<256x16xf32, #tpu.memory_space<vmem>>
        %dma_start3A_322 = tpu.memref_slice %arg2[%mul3A_317, %mul3A_7] : memref<8192x1024xf32, #tpu.memory_space<hbm>> -> memref<256x16xf32, #tpu.memory_space<hbm>>
        %dma_start3A_323 = tpu.memref_slice %arg9[%rem3A_315] : memref<4x!tpu.dma_semaphore, #tpu.memory_space<semaphore_mem>> -> memref<1x!tpu.dma_semaphore, #tpu.memory_space<semaphore_mem>>
        %dma_start3A_324 = tpu.memref_squeeze %dma_start3A_323 : memref<1x!tpu.dma_semaphore, #tpu.memory_space<semaphore_mem>> -> memref<!tpu.dma_semaphore, #tpu.memory_space<semaphore_mem>>
        %dma_start3A_325 = arith.constant 0 : i32
        %dma_start3A_326 = arith.constant 0 : i32
        %dma_start3A_327 = tpu.memref_slice %arg7[%rem3A_315, %dma_start3A_325, %dma_start3A_326] : memref<4x256x16xf32, #tpu.memory_space<vmem>> -> memref<1x256x16xf32, #tpu.memory_space<vmem>>
        %dma_start3A_328 = tpu.memref_squeeze %dma_start3A_327 : memref<1x256x16xf32, #tpu.memory_space<vmem>> -> memref<256x16xf32, #tpu.memory_space<vmem>>
        %dma_start3A_329 = tpu.memref_slice %arg2[%mul3A_317, %mul3A_7] : memref<8192x1024xf32, #tpu.memory_space<hbm>> -> memref<256x16xf32, #tpu.memory_space<hbm>>
        tpu.enqueue_dma source(%dma_start3A_329 : memref<256x16xf32, #tpu.memory_space<hbm>>) target(%dma_start3A_328 : memref<256x16xf32, #tpu.memory_space<vmem>>) target_semaphore(%dma_start3A_324 : memref<!tpu.dma_semaphore, #tpu.memory_space<semaphore_mem>>)
      } else {
      }
      %mul3A_272 = arith.constant 256 : i32
      %mul3A_273 = arith.muli %scan3A_265, %mul3A_272 : i32
      %dma_wait3A_274 = arith.constant 0 : i32
      %dma_wait3A_275 = arith.constant 0 : i32
      %dma_wait3A_276 = tpu.memref_slice %arg7[%rem3A_266, %dma_wait3A_274, %dma_wait3A_275] : memref<4x256x16xf32, #tpu.memory_space<vmem>> -> memref<1x256x16xf32, #tpu.memory_space<vmem>>
      %dma_wait3A_277 = tpu.memref_squeeze %dma_wait3A_276 : memref<1x256x16xf32, #tpu.memory_space<vmem>> -> memref<256x16xf32, #tpu.memory_space<vmem>>
      %dma_wait3A_278 = tpu.memref_slice %arg2[%mul3A_273, %mul3A_7] : memref<8192x1024xf32, #tpu.memory_space<hbm>> -> memref<256x16xf32, #tpu.memory_space<hbm>>
      %dma_wait3A_279 = tpu.memref_slice %arg9[%rem3A_266] : memref<4x!tpu.dma_semaphore, #tpu.memory_space<semaphore_mem>> -> memref<1x!tpu.dma_semaphore, #tpu.memory_space<semaphore_mem>>
      %dma_wait3A_280 = tpu.memref_squeeze %dma_wait3A_279 : memref<1x!tpu.dma_semaphore, #tpu.memory_space<semaphore_mem>> -> memref<!tpu.dma_semaphore, #tpu.memory_space<semaphore_mem>>
      %dma_wait3A_281 = arith.constant 0 : i32
      %dma_wait3A_282 = arith.constant 0 : i32
      %dma_wait3A_283 = tpu.memref_slice %arg7[%rem3A_266, %dma_wait3A_281, %dma_wait3A_282] : memref<4x256x16xf32, #tpu.memory_space<vmem>> -> memref<1x256x16xf32, #tpu.memory_space<vmem>>
      %dma_wait3A_284 = tpu.memref_squeeze %dma_wait3A_283 : memref<1x256x16xf32, #tpu.memory_space<vmem>> -> memref<256x16xf32, #tpu.memory_space<vmem>>
      %dma_wait3A_285 = tpu.memref_slice %arg2[%mul3A_273, %mul3A_7] : memref<8192x1024xf32, #tpu.memory_space<hbm>> -> memref<256x16xf32, #tpu.memory_space<hbm>>
      tpu.wait_dma2 semaphore(%dma_wait3A_280 : memref<!tpu.dma_semaphore, #tpu.memory_space<semaphore_mem>>) src(%dma_wait3A_285 : memref<256x16xf32, #tpu.memory_space<hbm>>) dst(%dma_wait3A_284 : memref<256x16xf32, #tpu.memory_space<vmem>>)
      %ge3A = arith.constant 4 : i32
      %ge3A_286 = arith.cmpi sge, %scan3A_265, %ge3A : i32
      %convert_element_type3A_287 = arith.extui %ge3A_286 : i1 to i32
      %cond3A_288 = arith.constant 0 : i32
      %cond3A_289 = arith.cmpi ne, %convert_element_type3A_287, %cond3A_288 : i32
      scf.if %cond3A_289 {
        %sub3A_306 = arith.constant 4 : i32
        %sub3A_307 = arith.subi %scan3A_265, %sub3A_306 : i32
        %mul3A_308 = arith.constant 256 : i32
        %mul3A_309 = arith.muli %sub3A_307, %mul3A_308 : i32
        %dma_wait3A_310 = arith.constant 0 : i32
        %dma_wait3A_311 = arith.constant 0 : i32
        %dma_wait3A_312 = tpu.memref_slice %arg8[%rem3A_266, %dma_wait3A_310, %dma_wait3A_311] : memref<4x256x16xf32, #tpu.memory_space<vmem>> -> memref<1x256x16xf32, #tpu.memory_space<vmem>>
        %dma_wait3A_313 = tpu.memref_squeeze %dma_wait3A_312 : memref<1x256x16xf32, #tpu.memory_space<vmem>> -> memref<256x16xf32, #tpu.memory_space<vmem>>
        %dma_wait3A_314 = tpu.memref_slice %arg5[%mul3A_309, %mul3A_7] : memref<8192x1024xf32, #tpu.memory_space<hbm>> -> memref<256x16xf32, #tpu.memory_space<hbm>>
        %dma_wait3A_315 = tpu.memref_slice %arg10[%rem3A_266] : memref<4x!tpu.dma_semaphore, #tpu.memory_space<semaphore_mem>> -> memref<1x!tpu.dma_semaphore, #tpu.memory_space<semaphore_mem>>
        %dma_wait3A_316 = tpu.memref_squeeze %dma_wait3A_315 : memref<1x!tpu.dma_semaphore, #tpu.memory_space<semaphore_mem>> -> memref<!tpu.dma_semaphore, #tpu.memory_space<semaphore_mem>>
        %dma_wait3A_317 = tpu.memref_slice %arg5[%mul3A_309, %mul3A_7] : memref<8192x1024xf32, #tpu.memory_space<hbm>> -> memref<256x16xf32, #tpu.memory_space<hbm>>
        %dma_wait3A_318 = arith.constant 0 : i32
        %dma_wait3A_319 = arith.constant 0 : i32
        %dma_wait3A_320 = tpu.memref_slice %arg8[%rem3A_266, %dma_wait3A_318, %dma_wait3A_319] : memref<4x256x16xf32, #tpu.memory_space<vmem>> -> memref<1x256x16xf32, #tpu.memory_space<vmem>>
        %dma_wait3A_321 = tpu.memref_squeeze %dma_wait3A_320 : memref<1x256x16xf32, #tpu.memory_space<vmem>> -> memref<256x16xf32, #tpu.memory_space<vmem>>
        tpu.wait_dma2 semaphore(%dma_wait3A_316 : memref<!tpu.dma_semaphore, #tpu.memory_space<semaphore_mem>>) src(%dma_wait3A_321 : memref<256x16xf32, #tpu.memory_space<vmem>>) dst(%dma_wait3A_317 : memref<256x16xf32, #tpu.memory_space<hbm>>)
      } else {
      }
      %parallel_loop3A = arith.constant 0 : i32
      %parallel_loop3A_290 = arith.constant 256 : i32
      %parallel_loop3A_291 = arith.constant 1 : i32
      scf.for %parallel_loop3A_306 = %parallel_loop3A to %parallel_loop3A_290 step %parallel_loop3A_291  : i32 {
        %parallel_loop3A_307 = arith.index_cast %rem3A_266 : i32 to index
        %parallel_loop3A_308 = arith.index_cast %parallel_loop3A_306 : i32 to index
        %parallel_loop3A_309 = arith.constant 0 : index
        %parallel_loop3A_310 = tpu.vector_load %arg7[%parallel_loop3A_307, %parallel_loop3A_308, %parallel_loop3A_309] {strides = array<i32>} : memref<4x256x16xf32, #tpu.memory_space<vmem>>, vector<16xf32>,
        %parallel_loop3A_311 = vector.broadcast %squeeze3A : f32 to vector<16xf32>
        %parallel_loop3A_312 = arith.mulf %parallel_loop3A_310, %parallel_loop3A_311 : vector<16xf32>
        %parallel_loop3A_313 = arith.fptosi %parallel_loop3A_312 : vector<16xf32> to vector<16xi32>
        %parallel_loop3A_314 = arith.sitofp %parallel_loop3A_313 : vector<16xi32> to vector<16xf32>
        %parallel_loop3A_315 = arith.subf %parallel_loop3A_312, %parallel_loop3A_314 : vector<16xf32>
        %parallel_loop3A_316 = arith.constant 7 : i32
        %parallel_loop3A_317 = vector.broadcast %parallel_loop3A_316 : i32 to vector<16xi32>
        %parallel_loop3A_318 = arith.addi %parallel_loop3A_313, %parallel_loop3A_317 : vector<16xi32>
        %parallel_loop3A_319 = arith.constant 1 : i32
        %parallel_loop3A_320 = vector.broadcast %parallel_loop3A_319 : i32 to vector<16xi32>
        %parallel_loop3A_321 = arith.addi %parallel_loop3A_318, %parallel_loop3A_320 : vector<16xi32>
        %parallel_loop3A_322 = arith.constant 1 : i32
        %parallel_loop3A_323 = vector.broadcast %parallel_loop3A_322 : i32 to vector<16xi32>
        %parallel_loop3A_324 = arith.addi %parallel_loop3A_321, %parallel_loop3A_323 : vector<16xi32>
        %parallel_loop3A_325 = arith.constant 1 : i32
        %parallel_loop3A_326 = vector.broadcast %parallel_loop3A_325 : i32 to vector<16xi32>
        %parallel_loop3A_327 = arith.addi %parallel_loop3A_324, %parallel_loop3A_326 : vector<16xi32>
        %parallel_loop3A_328 = tpu.vector_load_idx %arg6[%iota3A, %parallel_loop3A_318] : memref<16x4105xf32, #tpu.memory_space<vmem>>[vector<16xi32>, vector<16xi32>], vector<16xf32>,
        %parallel_loop3A_329 = tpu.vector_load_idx %arg6[%iota3A, %parallel_loop3A_321] : memref<16x4105xf32, #tpu.memory_space<vmem>>[vector<16xi32>, vector<16xi32>], vector<16xf32>,
        %parallel_loop3A_330 = tpu.vector_load_idx %arg6[%iota3A, %parallel_loop3A_324] : memref<16x4105xf32, #tpu.memory_space<vmem>>[vector<16xi32>, vector<16xi32>], vector<16xf32>,
        %parallel_loop3A_331 = tpu.vector_load_idx %arg6[%iota3A, %parallel_loop3A_327] : memref<16x4105xf32, #tpu.memory_space<vmem>>[vector<16xi32>, vector<16xi32>], vector<16xf32>,
        %parallel_loop3A_332 = arith.mulf %parallel_loop3A_315, %parallel_loop3A_315 : vector<16xf32>
        %parallel_loop3A_333 = arith.mulf %parallel_loop3A_332, %parallel_loop3A_315 : vector<16xf32>
        %parallel_loop3A_334 = arith.constant 0.166666672 : f32
        %parallel_loop3A_335 = vector.broadcast %parallel_loop3A_334 : f32 to vector<16xf32>
        %parallel_loop3A_336 = arith.mulf %parallel_loop3A_333, %parallel_loop3A_335 : vector<16xf32>
        %parallel_loop3A_337 = arith.constant 5.000000e-01 : f32
        %parallel_loop3A_338 = vector.broadcast %parallel_loop3A_337 : f32 to vector<16xf32>
        %parallel_loop3A_339 = arith.mulf %parallel_loop3A_338, %parallel_loop3A_333 : vector<16xf32>
        %parallel_loop3A_340 = arith.subf %parallel_loop3A_339, %parallel_loop3A_332 : vector<16xf32>
        %parallel_loop3A_341 = arith.constant 0.666666686 : f32
        %parallel_loop3A_342 = vector.broadcast %parallel_loop3A_341 : f32 to vector<16xf32>
        %parallel_loop3A_343 = arith.addf %parallel_loop3A_340, %parallel_loop3A_342 : vector<16xf32>
        %parallel_loop3A_344 = arith.addf %parallel_loop3A_332, %parallel_loop3A_315 : vector<16xf32>
        %parallel_loop3A_345 = arith.subf %parallel_loop3A_344, %parallel_loop3A_333 : vector<16xf32>
        %parallel_loop3A_346 = arith.constant 5.000000e-01 : f32
        %parallel_loop3A_347 = vector.broadcast %parallel_loop3A_346 : f32 to vector<16xf32>
        %parallel_loop3A_348 = arith.mulf %parallel_loop3A_347, %parallel_loop3A_345 : vector<16xf32>
        %parallel_loop3A_349 = arith.constant 0.166666672 : f32
        %parallel_loop3A_350 = vector.broadcast %parallel_loop3A_349 : f32 to vector<16xf32>
        %parallel_loop3A_351 = arith.addf %parallel_loop3A_348, %parallel_loop3A_350 : vector<16xf32>
        %parallel_loop3A_352 = arith.constant 1.000000e+00 : f32
        %parallel_loop3A_353 = vector.broadcast %parallel_loop3A_352 : f32 to vector<16xf32>
        %parallel_loop3A_354 = arith.subf %parallel_loop3A_353, %parallel_loop3A_343 : vector<16xf32>
        %parallel_loop3A_355 = arith.subf %parallel_loop3A_354, %parallel_loop3A_351 : vector<16xf32>
        %parallel_loop3A_356 = arith.subf %parallel_loop3A_355, %parallel_loop3A_336 : vector<16xf32>
        %parallel_loop3A_357 = arith.mulf %parallel_loop3A_356, %parallel_loop3A_328 : vector<16xf32>
        %parallel_loop3A_358 = arith.mulf %parallel_loop3A_343, %parallel_loop3A_329 : vector<16xf32>
        %parallel_loop3A_359 = arith.addf %parallel_loop3A_357, %parallel_loop3A_358 : vector<16xf32>
        %parallel_loop3A_360 = arith.mulf %parallel_loop3A_351, %parallel_loop3A_330 : vector<16xf32>
        %parallel_loop3A_361 = arith.addf %parallel_loop3A_359, %parallel_loop3A_360 : vector<16xf32>
        %parallel_loop3A_362 = arith.mulf %parallel_loop3A_336, %parallel_loop3A_331 : vector<16xf32>
        %parallel_loop3A_363 = arith.addf %parallel_loop3A_361, %parallel_loop3A_362 : vector<16xf32>
        %parallel_loop3A_364 = arith.index_cast %rem3A_266 : i32 to index
        %parallel_loop3A_365 = arith.index_cast %parallel_loop3A_306 : i32 to index
        %parallel_loop3A_366 = arith.constant 0 : index
        %parallel_loop3A_367 = tpu.vector_load %arg8[%parallel_loop3A_364, %parallel_loop3A_365, %parallel_loop3A_366] {strides = array<i32>} : memref<4x256x16xf32, #tpu.memory_space<vmem>>, vector<16xf32>,
        tpu.vector_store %arg8[%parallel_loop3A_364, %parallel_loop3A_365, %parallel_loop3A_366], %parallel_loop3A_363 {strides = array<i32>} : memref<4x256x16xf32, #tpu.memory_space<vmem>>, vector<16xf32>,
      } {sc.loop_unroll_factor = 8 : i64, sc.parallel_access}
      %mul3A_292 = arith.constant 256 : i32
      %mul3A_293 = arith.muli %scan3A_265, %mul3A_292 : i32
      %dma_start3A_294 = arith.constant 0 : i32
      %dma_start3A_295 = arith.constant 0 : i32
      %dma_start3A_296 = tpu.memref_slice %arg8[%rem3A_266, %dma_start3A_294, %dma_start3A_295] : memref<4x256x16xf32, #tpu.memory_space<vmem>> -> memref<1x256x16xf32, #tpu.memory_space<vmem>>
      %dma_start3A_297 = tpu.memref_squeeze %dma_start3A_296 : memref<1x256x16xf32, #tpu.memory_space<vmem>> -> memref<256x16xf32, #tpu.memory_space<vmem>>
      %dma_start3A_298 = tpu.memref_slice %arg5[%mul3A_293, %mul3A_7] : memref<8192x1024xf32, #tpu.memory_space<hbm>> -> memref<256x16xf32, #tpu.memory_space<hbm>>
      %dma_start3A_299 = tpu.memref_slice %arg10[%rem3A_266] : memref<4x!tpu.dma_semaphore, #tpu.memory_space<semaphore_mem>> -> memref<1x!tpu.dma_semaphore, #tpu.memory_space<semaphore_mem>>
      %dma_start3A_300 = tpu.memref_squeeze %dma_start3A_299 : memref<1x!tpu.dma_semaphore, #tpu.memory_space<semaphore_mem>> -> memref<!tpu.dma_semaphore, #tpu.memory_space<semaphore_mem>>
      %dma_start3A_301 = tpu.memref_slice %arg5[%mul3A_293, %mul3A_7] : memref<8192x1024xf32, #tpu.memory_space<hbm>> -> memref<256x16xf32, #tpu.memory_space<hbm>>
      %dma_start3A_302 = arith.constant 0 : i32
      %dma_start3A_303 = arith.constant 0 : i32
      %dma_start3A_304 = tpu.memref_slice %arg8[%rem3A_266, %dma_start3A_302, %dma_start3A_303] : memref<4x256x16xf32, #tpu.memory_space<vmem>> -> memref<1x256x16xf32, #tpu.memory_space<vmem>>
      %dma_start3A_305 = tpu.memref_squeeze %dma_start3A_304 : memref<1x256x16xf32, #tpu.memory_space<vmem>> -> memref<256x16xf32, #tpu.memory_space<vmem>>
      tpu.enqueue_dma source(%dma_start3A_305 : memref<256x16xf32, #tpu.memory_space<vmem>>) target(%dma_start3A_301 : memref<256x16xf32, #tpu.memory_space<hbm>>) target_semaphore(%dma_start3A_300 : memref<!tpu.dma_semaphore, #tpu.memory_space<semaphore_mem>>)
    }
    %scan3A_67 = arith.constant 32 : i32
    %dma_wait3A = arith.constant 0 : i32
    %dma_wait3A_68 = arith.constant 0 : i32
    %dma_wait3A_69 = arith.constant 0 : i32
    %dma_wait3A_70 = arith.constant 0 : i32
    %dma_wait3A_71 = tpu.memref_slice %arg8[%dma_wait3A, %dma_wait3A_69, %dma_wait3A_70] : memref<4x256x16xf32, #tpu.memory_space<vmem>> -> memref<1x256x16xf32, #tpu.memory_space<vmem>>
    %dma_wait3A_72 = tpu.memref_squeeze %dma_wait3A_71 : memref<1x256x16xf32, #tpu.memory_space<vmem>> -> memref<256x16xf32, #tpu.memory_space<vmem>>
    %dma_wait3A_73 = arith.constant 7168 : i32
    %dma_wait3A_74 = tpu.memref_slice %arg5[%dma_wait3A_73, %mul3A_7] : memref<8192x1024xf32, #tpu.memory_space<hbm>> -> memref<256x16xf32, #tpu.memory_space<hbm>>
    %dma_wait3A_75 = tpu.memref_slice %arg10[%dma_wait3A_68] : memref<4x!tpu.dma_semaphore, #tpu.memory_space<semaphore_mem>> -> memref<1x!tpu.dma_semaphore, #tpu.memory_space<semaphore_mem>>
    %dma_wait3A_76 = tpu.memref_squeeze %dma_wait3A_75 : memref<1x!tpu.dma_semaphore, #tpu.memory_space<semaphore_mem>> -> memref<!tpu.dma_semaphore, #tpu.memory_space<semaphore_mem>>
    %dma_wait3A_77 = arith.constant 7168 : i32
    %dma_wait3A_78 = tpu.memref_slice %arg5[%dma_wait3A_77, %mul3A_7] : memref<8192x1024xf32, #tpu.memory_space<hbm>> -> memref<256x16xf32, #tpu.memory_space<hbm>>
    %dma_wait3A_79 = arith.constant 0 : i32
    %dma_wait3A_80 = arith.constant 0 : i32
    %dma_wait3A_81 = tpu.memref_slice %arg8[%dma_wait3A, %dma_wait3A_79, %dma_wait3A_80] : memref<4x256x16xf32, #tpu.memory_space<vmem>> -> memref<1x256x16xf32, #tpu.memory_space<vmem>>
    %dma_wait3A_82 = tpu.memref_squeeze %dma_wait3A_81 : memref<1x256x16xf32, #tpu.memory_space<vmem>> -> memref<256x16xf32, #tpu.memory_space<vmem>>
    tpu.wait_dma2 semaphore(%dma_wait3A_76 : memref<!tpu.dma_semaphore, #tpu.memory_space<semaphore_mem>>) src(%dma_wait3A_82 : memref<256x16xf32, #tpu.memory_space<vmem>>) dst(%dma_wait3A_78 : memref<256x16xf32, #tpu.memory_space<hbm>>)
    %dma_wait3A_83 = arith.constant 1 : i32
    %dma_wait3A_84 = arith.constant 1 : i32
    %dma_wait3A_85 = arith.constant 0 : i32
    %dma_wait3A_86 = arith.constant 0 : i32
    %dma_wait3A_87 = tpu.memref_slice %arg8[%dma_wait3A_83, %dma_wait3A_85, %dma_wait3A_86] : memref<4x256x16xf32, #tpu.memory_space<vmem>> -> memref<1x256x16xf32, #tpu.memory_space<vmem>>
    %dma_wait3A_88 = tpu.memref_squeeze %dma_wait3A_87 : memref<1x256x16xf32, #tpu.memory_space<vmem>> -> memref<256x16xf32, #tpu.memory_space<vmem>>
    %dma_wait3A_89 = arith.constant 7424 : i32
    %dma_wait3A_90 = tpu.memref_slice %arg5[%dma_wait3A_89, %mul3A_7] : memref<8192x1024xf32, #tpu.memory_space<hbm>> -> memref<256x16xf32, #tpu.memory_space<hbm>>
    %dma_wait3A_91 = tpu.memref_slice %arg10[%dma_wait3A_84] : memref<4x!tpu.dma_semaphore, #tpu.memory_space<semaphore_mem>> -> memref<1x!tpu.dma_semaphore, #tpu.memory_space<semaphore_mem>>
    %dma_wait3A_92 = tpu.memref_squeeze %dma_wait3A_91 : memref<1x!tpu.dma_semaphore, #tpu.memory_space<semaphore_mem>> -> memref<!tpu.dma_semaphore, #tpu.memory_space<semaphore_mem>>
    %dma_wait3A_93 = arith.constant 7424 : i32
    %dma_wait3A_94 = tpu.memref_slice %arg5[%dma_wait3A_93, %mul3A_7] : memref<8192x1024xf32, #tpu.memory_space<hbm>> -> memref<256x16xf32, #tpu.memory_space<hbm>>
    %dma_wait3A_95 = arith.constant 0 : i32
    %dma_wait3A_96 = arith.constant 0 : i32
    %dma_wait3A_97 = tpu.memref_slice %arg8[%dma_wait3A_83, %dma_wait3A_95, %dma_wait3A_96] : memref<4x256x16xf32, #tpu.memory_space<vmem>> -> memref<1x256x16xf32, #tpu.memory_space<vmem>>
    %dma_wait3A_98 = tpu.memref_squeeze %dma_wait3A_97 : memref<1x256x16xf32, #tpu.memory_space<vmem>> -> memref<256x16xf32, #tpu.memory_space<vmem>>
    tpu.wait_dma2 semaphore(%dma_wait3A_92 : memref<!tpu.dma_semaphore, #tpu.memory_space<semaphore_mem>>) src(%dma_wait3A_98 : memref<256x16xf32, #tpu.memory_space<vmem>>) dst(%dma_wait3A_94 : memref<256x16xf32, #tpu.memory_space<hbm>>)
    %dma_wait3A_99 = arith.constant 2 : i32
    %dma_wait3A_100 = arith.constant 2 : i32
    %dma_wait3A_101 = arith.constant 0 : i32
    %dma_wait3A_102 = arith.constant 0 : i32
    %dma_wait3A_103 = tpu.memref_slice %arg8[%dma_wait3A_99, %dma_wait3A_101, %dma_wait3A_102] : memref<4x256x16xf32, #tpu.memory_space<vmem>> -> memref<1x256x16xf32, #tpu.memory_space<vmem>>
    %dma_wait3A_104 = tpu.memref_squeeze %dma_wait3A_103 : memref<1x256x16xf32, #tpu.memory_space<vmem>> -> memref<256x16xf32, #tpu.memory_space<vmem>>
    %dma_wait3A_105 = arith.constant 7680 : i32
    %dma_wait3A_106 = tpu.memref_slice %arg5[%dma_wait3A_105, %mul3A_7] : memref<8192x1024xf32, #tpu.memory_space<hbm>> -> memref<256x16xf32, #tpu.memory_space<hbm>>
    %dma_wait3A_107 = tpu.memref_slice %arg10[%dma_wait3A_100] : memref<4x!tpu.dma_semaphore, #tpu.memory_space<semaphore_mem>> -> memref<1x!tpu.dma_semaphore, #tpu.memory_space<semaphore_mem>>
    %dma_wait3A_108 = tpu.memref_squeeze %dma_wait3A_107 : memref<1x!tpu.dma_semaphore, #tpu.memory_space<semaphore_mem>> -> memref<!tpu.dma_semaphore, #tpu.memory_space<semaphore_mem>>
    %dma_wait3A_109 = arith.constant 7680 : i32
    %dma_wait3A_110 = tpu.memref_slice %arg5[%dma_wait3A_109, %mul3A_7] : memref<8192x1024xf32, #tpu.memory_space<hbm>> -> memref<256x16xf32, #tpu.memory_space<hbm>>
    %dma_wait3A_111 = arith.constant 0 : i32
    %dma_wait3A_112 = arith.constant 0 : i32
    %dma_wait3A_113 = tpu.memref_slice %arg8[%dma_wait3A_99, %dma_wait3A_111, %dma_wait3A_112] : memref<4x256x16xf32, #tpu.memory_space<vmem>> -> memref<1x256x16xf32, #tpu.memory_space<vmem>>
    %dma_wait3A_114 = tpu.memref_squeeze %dma_wait3A_113 : memref<1x256x16xf32, #tpu.memory_space<vmem>> -> memref<256x16xf32, #tpu.memory_space<vmem>>
    tpu.wait_dma2 semaphore(%dma_wait3A_108 : memref<!tpu.dma_semaphore, #tpu.memory_space<semaphore_mem>>) src(%dma_wait3A_114 : memref<256x16xf32, #tpu.memory_space<vmem>>) dst(%dma_wait3A_110 : memref<256x16xf32, #tpu.memory_space<hbm>>)
    %dma_wait3A_115 = arith.constant 3 : i32
    %dma_wait3A_116 = arith.constant 3 : i32
    %dma_wait3A_117 = arith.constant 0 : i32
    %dma_wait3A_118 = arith.constant 0 : i32
    %dma_wait3A_119 = tpu.memref_slice %arg8[%dma_wait3A_115, %dma_wait3A_117, %dma_wait3A_118] : memref<4x256x16xf32, #tpu.memory_space<vmem>> -> memref<1x256x16xf32, #tpu.memory_space<vmem>>
    %dma_wait3A_120 = tpu.memref_squeeze %dma_wait3A_119 : memref<1x256x16xf32, #tpu.memory_space<vmem>> -> memref<256x16xf32, #tpu.memory_space<vmem>>
    %dma_wait3A_121 = arith.constant 7936 : i32
    %dma_wait3A_122 = tpu.memref_slice %arg5[%dma_wait3A_121, %mul3A_7] : memref<8192x1024xf32, #tpu.memory_space<hbm>> -> memref<256x16xf32, #tpu.memory_space<hbm>>
    %dma_wait3A_123 = tpu.memref_slice %arg10[%dma_wait3A_116] : memref<4x!tpu.dma_semaphore, #tpu.memory_space<semaphore_mem>> -> memref<1x!tpu.dma_semaphore, #tpu.memory_space<semaphore_mem>>
    %dma_wait3A_124 = tpu.memref_squeeze %dma_wait3A_123 : memref<1x!tpu.dma_semaphore, #tpu.memory_space<semaphore_mem>> -> memref<!tpu.dma_semaphore, #tpu.memory_space<semaphore_mem>>
    %dma_wait3A_125 = arith.constant 7936 : i32
    %dma_wait3A_126 = tpu.memref_slice %arg5[%dma_wait3A_125, %mul3A_7] : memref<8192x1024xf32, #tpu.memory_space<hbm>> -> memref<256x16xf32, #tpu.memory_space<hbm>>
    %dma_wait3A_127 = arith.constant 0 : i32
    %dma_wait3A_128 = arith.constant 0 : i32
    %dma_wait3A_129 = tpu.memref_slice %arg8[%dma_wait3A_115, %dma_wait3A_127, %dma_wait3A_128] : memref<4x256x16xf32, #tpu.memory_space<vmem>> -> memref<1x256x16xf32, #tpu.memory_space<vmem>>
    %dma_wait3A_130 = tpu.memref_squeeze %dma_wait3A_129 : memref<1x256x16xf32, #tpu.memory_space<vmem>> -> memref<256x16xf32, #tpu.memory_space<vmem>>
    tpu.wait_dma2 semaphore(%dma_wait3A_124 : memref<!tpu.dma_semaphore, #tpu.memory_space<semaphore_mem>>) src(%dma_wait3A_130 : memref<256x16xf32, #tpu.memory_space<vmem>>) dst(%dma_wait3A_126 : memref<256x16xf32, #tpu.memory_space<hbm>>)
    %mul3A_131 = arith.constant 2 : i32
    %mul3A_132 = arith.muli %add3A, %mul3A_131 : i32
    %add3A_133 = arith.constant 1 : i32
    %add3A_134 = arith.addi %mul3A_132, %add3A_133 : i32
    %mul3A_135 = arith.constant 16 : i32
    %mul3A_136 = arith.muli %add3A_134, %mul3A_135 : i32
    "tpu.region"() ({
      %run_scoped3A = tpu.sem_alloc : memref<!tpu.dma_semaphore, #tpu.memory_space<semaphore_mem>>
      %dma_start3A_265 = arith.constant 0 : i32
      %dma_start3A_266 = arith.constant 8 : i32
      %dma_start3A_267 = tpu.memref_slice %arg6[%dma_start3A_265, %dma_start3A_266] : memref<16x4105xf32, #tpu.memory_space<vmem>> -> memref<16x4096xf32, #tpu.memory_space<vmem>>
      %dma_start3A_268 = arith.constant 0 : i32
      %dma_start3A_269 = tpu.memref_slice %arg3[%mul3A_136, %dma_start3A_268] : memref<1024x4096xf32, #tpu.memory_space<hbm>> -> memref<16x4096xf32, #tpu.memory_space<hbm>>
      %dma_start3A_270 = arith.constant 0 : i32
      %dma_start3A_271 = arith.constant 8 : i32
      %dma_start3A_272 = tpu.memref_slice %arg6[%dma_start3A_270, %dma_start3A_271] : memref<16x4105xf32, #tpu.memory_space<vmem>> -> memref<16x4096xf32, #tpu.memory_space<vmem>>
      %dma_start3A_273 = arith.constant 0 : i32
      %dma_start3A_274 = tpu.memref_slice %arg3[%mul3A_136, %dma_start3A_273] : memref<1024x4096xf32, #tpu.memory_space<hbm>> -> memref<16x4096xf32, #tpu.memory_space<hbm>>
      tpu.enqueue_dma source(%dma_start3A_274 : memref<16x4096xf32, #tpu.memory_space<hbm>>) target(%dma_start3A_272 : memref<16x4096xf32, #tpu.memory_space<vmem>>) target_semaphore(%run_scoped3A : memref<!tpu.dma_semaphore, #tpu.memory_space<semaphore_mem>>)
      %dma_wait3A_275 = arith.constant 0 : i32
      %dma_wait3A_276 = arith.constant 8 : i32
      %dma_wait3A_277 = tpu.memref_slice %arg6[%dma_wait3A_275, %dma_wait3A_276] : memref<16x4105xf32, #tpu.memory_space<vmem>> -> memref<16x4096xf32, #tpu.memory_space<vmem>>
      %dma_wait3A_278 = arith.constant 0 : i32
      %dma_wait3A_279 = tpu.memref_slice %arg3[%mul3A_136, %dma_wait3A_278] : memref<1024x4096xf32, #tpu.memory_space<hbm>> -> memref<16x4096xf32, #tpu.memory_space<hbm>>
      %dma_wait3A_280 = arith.constant 0 : i32
      %dma_wait3A_281 = arith.constant 8 : i32
      %dma_wait3A_282 = tpu.memref_slice %arg6[%dma_wait3A_280, %dma_wait3A_281] : memref<16x4105xf32, #tpu.memory_space<vmem>> -> memref<16x4096xf32, #tpu.memory_space<vmem>>
      %dma_wait3A_283 = arith.constant 0 : i32
      %dma_wait3A_284 = tpu.memref_slice %arg3[%mul3A_136, %dma_wait3A_283] : memref<1024x4096xf32, #tpu.memory_space<hbm>> -> memref<16x4096xf32, #tpu.memory_space<hbm>>
      tpu.wait_dma2 semaphore(%run_scoped3A : memref<!tpu.dma_semaphore, #tpu.memory_space<semaphore_mem>>) src(%dma_wait3A_284 : memref<16x4096xf32, #tpu.memory_space<hbm>>) dst(%dma_wait3A_282 : memref<16x4096xf32, #tpu.memory_space<vmem>>)
      tpu.yield
    }) : () -> ()
    %broadcast_in_dim3A_137 = arith.constant 8 : i32
    %broadcast_in_dim3A_138 = vector.broadcast %broadcast_in_dim3A_137 : i32 to vector<16xi32>
    %gather3A_139 = tpu.vector_load_idx %arg6[%iota3A, %broadcast_in_dim3A_138] : memref<16x4105xf32, #tpu.memory_space<vmem>>[vector<16xi32>, vector<16xi32>], vector<16xf32>,
    %broadcast_in_dim3A_140 = arith.constant 7 : i32
    %broadcast_in_dim3A_141 = vector.broadcast %broadcast_in_dim3A_140 : i32 to vector<16xi32>
    tpu.vector_store_idx %arg6[%iota3A, %broadcast_in_dim3A_141], %gather3A_139 : memref<16x4105xf32, #tpu.memory_space<vmem>>[vector<16xi32>, vector<16xi32>], vector<16xf32>,
    %broadcast_in_dim3A_142 = arith.constant 4103 : i32
    %broadcast_in_dim3A_143 = vector.broadcast %broadcast_in_dim3A_142 : i32 to vector<16xi32>
    %gather3A_144 = tpu.vector_load_idx %arg6[%iota3A, %broadcast_in_dim3A_143] : memref<16x4105xf32, #tpu.memory_space<vmem>>[vector<16xi32>, vector<16xi32>], vector<16xf32>,
    %broadcast_in_dim3A_145 = arith.constant 4104 : i32
    %broadcast_in_dim3A_146 = vector.broadcast %broadcast_in_dim3A_145 : i32 to vector<16xi32>
    tpu.vector_store_idx %arg6[%iota3A, %broadcast_in_dim3A_146], %gather3A_144 : memref<16x4105xf32, #tpu.memory_space<vmem>>[vector<16xi32>, vector<16xi32>], vector<16xf32>,
    %dma_start3A_147 = arith.constant 0 : i32
    %dma_start3A_148 = arith.constant 0 : i32
    %dma_start3A_149 = arith.constant 0 : i32
    %dma_start3A_150 = arith.constant 0 : i32
    %dma_start3A_151 = tpu.memref_slice %arg7[%dma_start3A_147, %dma_start3A_149, %dma_start3A_150] : memref<4x256x16xf32, #tpu.memory_space<vmem>> -> memref<1x256x16xf32, #tpu.memory_space<vmem>>
    %dma_start3A_152 = tpu.memref_squeeze %dma_start3A_151 : memref<1x256x16xf32, #tpu.memory_space<vmem>> -> memref<256x16xf32, #tpu.memory_space<vmem>>
    %dma_start3A_153 = arith.constant 0 : i32
    %dma_start3A_154 = tpu.memref_slice %arg2[%dma_start3A_153, %mul3A_136] : memref<8192x1024xf32, #tpu.memory_space<hbm>> -> memref<256x16xf32, #tpu.memory_space<hbm>>
    %dma_start3A_155 = tpu.memref_slice %arg9[%dma_start3A_148] : memref<4x!tpu.dma_semaphore, #tpu.memory_space<semaphore_mem>> -> memref<1x!tpu.dma_semaphore, #tpu.memory_space<semaphore_mem>>
    %dma_start3A_156 = tpu.memref_squeeze %dma_start3A_155 : memref<1x!tpu.dma_semaphore, #tpu.memory_space<semaphore_mem>> -> memref<!tpu.dma_semaphore, #tpu.memory_space<semaphore_mem>>
    %dma_start3A_157 = arith.constant 0 : i32
    %dma_start3A_158 = arith.constant 0 : i32
    %dma_start3A_159 = tpu.memref_slice %arg7[%dma_start3A_147, %dma_start3A_157, %dma_start3A_158] : memref<4x256x16xf32, #tpu.memory_space<vmem>> -> memref<1x256x16xf32, #tpu.memory_space<vmem>>
    %dma_start3A_160 = tpu.memref_squeeze %dma_start3A_159 : memref<1x256x16xf32, #tpu.memory_space<vmem>> -> memref<256x16xf32, #tpu.memory_space<vmem>>
    %dma_start3A_161 = arith.constant 0 : i32
    %dma_start3A_162 = tpu.memref_slice %arg2[%dma_start3A_161, %mul3A_136] : memref<8192x1024xf32, #tpu.memory_space<hbm>> -> memref<256x16xf32, #tpu.memory_space<hbm>>
    tpu.enqueue_dma source(%dma_start3A_162 : memref<256x16xf32, #tpu.memory_space<hbm>>) target(%dma_start3A_160 : memref<256x16xf32, #tpu.memory_space<vmem>>) target_semaphore(%dma_start3A_156 : memref<!tpu.dma_semaphore, #tpu.memory_space<semaphore_mem>>)
    %dma_start3A_163 = arith.constant 1 : i32
    %dma_start3A_164 = arith.constant 1 : i32
    %dma_start3A_165 = arith.constant 0 : i32
    %dma_start3A_166 = arith.constant 0 : i32
    %dma_start3A_167 = tpu.memref_slice %arg7[%dma_start3A_163, %dma_start3A_165, %dma_start3A_166] : memref<4x256x16xf32, #tpu.memory_space<vmem>> -> memref<1x256x16xf32, #tpu.memory_space<vmem>>
    %dma_start3A_168 = tpu.memref_squeeze %dma_start3A_167 : memref<1x256x16xf32, #tpu.memory_space<vmem>> -> memref<256x16xf32, #tpu.memory_space<vmem>>
    %dma_start3A_169 = arith.constant 256 : i32
    %dma_start3A_170 = tpu.memref_slice %arg2[%dma_start3A_169, %mul3A_136] : memref<8192x1024xf32, #tpu.memory_space<hbm>> -> memref<256x16xf32, #tpu.memory_space<hbm>>
    %dma_start3A_171 = tpu.memref_slice %arg9[%dma_start3A_164] : memref<4x!tpu.dma_semaphore, #tpu.memory_space<semaphore_mem>> -> memref<1x!tpu.dma_semaphore, #tpu.memory_space<semaphore_mem>>
    %dma_start3A_172 = tpu.memref_squeeze %dma_start3A_171 : memref<1x!tpu.dma_semaphore, #tpu.memory_space<semaphore_mem>> -> memref<!tpu.dma_semaphore, #tpu.memory_space<semaphore_mem>>
    %dma_start3A_173 = arith.constant 0 : i32
    %dma_start3A_174 = arith.constant 0 : i32
    %dma_start3A_175 = tpu.memref_slice %arg7[%dma_start3A_163, %dma_start3A_173, %dma_start3A_174] : memref<4x256x16xf32, #tpu.memory_space<vmem>> -> memref<1x256x16xf32, #tpu.memory_space<vmem>>
    %dma_start3A_176 = tpu.memref_squeeze %dma_start3A_175 : memref<1x256x16xf32, #tpu.memory_space<vmem>> -> memref<256x16xf32, #tpu.memory_space<vmem>>
    %dma_start3A_177 = arith.constant 256 : i32
    %dma_start3A_178 = tpu.memref_slice %arg2[%dma_start3A_177, %mul3A_136] : memref<8192x1024xf32, #tpu.memory_space<hbm>> -> memref<256x16xf32, #tpu.memory_space<hbm>>
    tpu.enqueue_dma source(%dma_start3A_178 : memref<256x16xf32, #tpu.memory_space<hbm>>) target(%dma_start3A_176 : memref<256x16xf32, #tpu.memory_space<vmem>>) target_semaphore(%dma_start3A_172 : memref<!tpu.dma_semaphore, #tpu.memory_space<semaphore_mem>>)
    %dma_start3A_179 = arith.constant 2 : i32
    %dma_start3A_180 = arith.constant 2 : i32
    %dma_start3A_181 = arith.constant 0 : i32
    %dma_start3A_182 = arith.constant 0 : i32
    %dma_start3A_183 = tpu.memref_slice %arg7[%dma_start3A_179, %dma_start3A_181, %dma_start3A_182] : memref<4x256x16xf32, #tpu.memory_space<vmem>> -> memref<1x256x16xf32, #tpu.memory_space<vmem>>
    %dma_start3A_184 = tpu.memref_squeeze %dma_start3A_183 : memref<1x256x16xf32, #tpu.memory_space<vmem>> -> memref<256x16xf32, #tpu.memory_space<vmem>>
    %dma_start3A_185 = arith.constant 512 : i32
    %dma_start3A_186 = tpu.memref_slice %arg2[%dma_start3A_185, %mul3A_136] : memref<8192x1024xf32, #tpu.memory_space<hbm>> -> memref<256x16xf32, #tpu.memory_space<hbm>>
    %dma_start3A_187 = tpu.memref_slice %arg9[%dma_start3A_180] : memref<4x!tpu.dma_semaphore, #tpu.memory_space<semaphore_mem>> -> memref<1x!tpu.dma_semaphore, #tpu.memory_space<semaphore_mem>>
    %dma_start3A_188 = tpu.memref_squeeze %dma_start3A_187 : memref<1x!tpu.dma_semaphore, #tpu.memory_space<semaphore_mem>> -> memref<!tpu.dma_semaphore, #tpu.memory_space<semaphore_mem>>
    %dma_start3A_189 = arith.constant 0 : i32
    %dma_start3A_190 = arith.constant 0 : i32
    %dma_start3A_191 = tpu.memref_slice %arg7[%dma_start3A_179, %dma_start3A_189, %dma_start3A_190] : memref<4x256x16xf32, #tpu.memory_space<vmem>> -> memref<1x256x16xf32, #tpu.memory_space<vmem>>
    %dma_start3A_192 = tpu.memref_squeeze %dma_start3A_191 : memref<1x256x16xf32, #tpu.memory_space<vmem>> -> memref<256x16xf32, #tpu.memory_space<vmem>>
    %dma_start3A_193 = arith.constant 512 : i32
    %dma_start3A_194 = tpu.memref_slice %arg2[%dma_start3A_193, %mul3A_136] : memref<8192x1024xf32, #tpu.memory_space<hbm>> -> memref<256x16xf32, #tpu.memory_space<hbm>>
    tpu.enqueue_dma source(%dma_start3A_194 : memref<256x16xf32, #tpu.memory_space<hbm>>) target(%dma_start3A_192 : memref<256x16xf32, #tpu.memory_space<vmem>>) target_semaphore(%dma_start3A_188 : memref<!tpu.dma_semaphore, #tpu.memory_space<semaphore_mem>>)
    %scan3A_195 = arith.constant 0 : i32
    %scan3A_196 = arith.constant 0 : i32
    %scan3A_197 = arith.constant 32 : i32
    %scan3A_198 = arith.addi %scan3A_196, %scan3A_197 : i32
    %scan3A_199 = arith.constant 1 : i32
    scf.for %scan3A_265 = %scan3A_196 to %scan3A_198 step %scan3A_199  : i32 {
      %rem3A = arith.constant 4 : i32
      %rem3A_266 = arith.remsi %scan3A_265, %rem3A : i32
      %add3A_267 = arith.constant 4 : i32
      %add3A_268 = arith.addi %scan3A_265, %add3A_267 : i32
      %sub3A = arith.constant 1 : i32
      %sub3A_269 = arith.subi %add3A_268, %sub3A : i32
      %lt3A = arith.constant 32 : i32
      %lt3A_270 = arith.cmpi slt, %sub3A_269, %lt3A : i32
      %convert_element_type3A = arith.extui %lt3A_270 : i1 to i32
      %cond3A = arith.constant 0 : i32
      %cond3A_271 = arith.cmpi ne, %convert_element_type3A, %cond3A : i32
      scf.if %cond3A_271 {
        %add3A_306 = arith.constant 4 : i32
        %add3A_307 = arith.addi %scan3A_265, %add3A_306 : i32
        %sub3A_308 = arith.constant 1 : i32
        %sub3A_309 = arith.subi %add3A_307, %sub3A_308 : i32
        %add3A_310 = arith.constant 4 : i32
        %add3A_311 = arith.addi %scan3A_265, %add3A_310 : i32
        %sub3A_312 = arith.constant 1 : i32
        %sub3A_313 = arith.subi %add3A_311, %sub3A_312 : i32
        %rem3A_314 = arith.constant 4 : i32
        %rem3A_315 = arith.remsi %sub3A_313, %rem3A_314 : i32
        %mul3A_316 = arith.constant 256 : i32
        %mul3A_317 = arith.muli %sub3A_309, %mul3A_316 : i32
        %dma_start3A_318 = arith.constant 0 : i32
        %dma_start3A_319 = arith.constant 0 : i32
        %dma_start3A_320 = tpu.memref_slice %arg7[%rem3A_315, %dma_start3A_318, %dma_start3A_319] : memref<4x256x16xf32, #tpu.memory_space<vmem>> -> memref<1x256x16xf32, #tpu.memory_space<vmem>>
        %dma_start3A_321 = tpu.memref_squeeze %dma_start3A_320 : memref<1x256x16xf32, #tpu.memory_space<vmem>> -> memref<256x16xf32, #tpu.memory_space<vmem>>
        %dma_start3A_322 = tpu.memref_slice %arg2[%mul3A_317, %mul3A_136] : memref<8192x1024xf32, #tpu.memory_space<hbm>> -> memref<256x16xf32, #tpu.memory_space<hbm>>
        %dma_start3A_323 = tpu.memref_slice %arg9[%rem3A_315] : memref<4x!tpu.dma_semaphore, #tpu.memory_space<semaphore_mem>> -> memref<1x!tpu.dma_semaphore, #tpu.memory_space<semaphore_mem>>
        %dma_start3A_324 = tpu.memref_squeeze %dma_start3A_323 : memref<1x!tpu.dma_semaphore, #tpu.memory_space<semaphore_mem>> -> memref<!tpu.dma_semaphore, #tpu.memory_space<semaphore_mem>>
        %dma_start3A_325 = arith.constant 0 : i32
        %dma_start3A_326 = arith.constant 0 : i32
        %dma_start3A_327 = tpu.memref_slice %arg7[%rem3A_315, %dma_start3A_325, %dma_start3A_326] : memref<4x256x16xf32, #tpu.memory_space<vmem>> -> memref<1x256x16xf32, #tpu.memory_space<vmem>>
        %dma_start3A_328 = tpu.memref_squeeze %dma_start3A_327 : memref<1x256x16xf32, #tpu.memory_space<vmem>> -> memref<256x16xf32, #tpu.memory_space<vmem>>
        %dma_start3A_329 = tpu.memref_slice %arg2[%mul3A_317, %mul3A_136] : memref<8192x1024xf32, #tpu.memory_space<hbm>> -> memref<256x16xf32, #tpu.memory_space<hbm>>
        tpu.enqueue_dma source(%dma_start3A_329 : memref<256x16xf32, #tpu.memory_space<hbm>>) target(%dma_start3A_328 : memref<256x16xf32, #tpu.memory_space<vmem>>) target_semaphore(%dma_start3A_324 : memref<!tpu.dma_semaphore, #tpu.memory_space<semaphore_mem>>)
      } else {
      }
      %mul3A_272 = arith.constant 256 : i32
      %mul3A_273 = arith.muli %scan3A_265, %mul3A_272 : i32
      %dma_wait3A_274 = arith.constant 0 : i32
      %dma_wait3A_275 = arith.constant 0 : i32
      %dma_wait3A_276 = tpu.memref_slice %arg7[%rem3A_266, %dma_wait3A_274, %dma_wait3A_275] : memref<4x256x16xf32, #tpu.memory_space<vmem>> -> memref<1x256x16xf32, #tpu.memory_space<vmem>>
      %dma_wait3A_277 = tpu.memref_squeeze %dma_wait3A_276 : memref<1x256x16xf32, #tpu.memory_space<vmem>> -> memref<256x16xf32, #tpu.memory_space<vmem>>
      %dma_wait3A_278 = tpu.memref_slice %arg2[%mul3A_273, %mul3A_136] : memref<8192x1024xf32, #tpu.memory_space<hbm>> -> memref<256x16xf32, #tpu.memory_space<hbm>>
      %dma_wait3A_279 = tpu.memref_slice %arg9[%rem3A_266] : memref<4x!tpu.dma_semaphore, #tpu.memory_space<semaphore_mem>> -> memref<1x!tpu.dma_semaphore, #tpu.memory_space<semaphore_mem>>
      %dma_wait3A_280 = tpu.memref_squeeze %dma_wait3A_279 : memref<1x!tpu.dma_semaphore, #tpu.memory_space<semaphore_mem>> -> memref<!tpu.dma_semaphore, #tpu.memory_space<semaphore_mem>>
      %dma_wait3A_281 = arith.constant 0 : i32
      %dma_wait3A_282 = arith.constant 0 : i32
      %dma_wait3A_283 = tpu.memref_slice %arg7[%rem3A_266, %dma_wait3A_281, %dma_wait3A_282] : memref<4x256x16xf32, #tpu.memory_space<vmem>> -> memref<1x256x16xf32, #tpu.memory_space<vmem>>
      %dma_wait3A_284 = tpu.memref_squeeze %dma_wait3A_283 : memref<1x256x16xf32, #tpu.memory_space<vmem>> -> memref<256x16xf32, #tpu.memory_space<vmem>>
      %dma_wait3A_285 = tpu.memref_slice %arg2[%mul3A_273, %mul3A_136] : memref<8192x1024xf32, #tpu.memory_space<hbm>> -> memref<256x16xf32, #tpu.memory_space<hbm>>
      tpu.wait_dma2 semaphore(%dma_wait3A_280 : memref<!tpu.dma_semaphore, #tpu.memory_space<semaphore_mem>>) src(%dma_wait3A_285 : memref<256x16xf32, #tpu.memory_space<hbm>>) dst(%dma_wait3A_284 : memref<256x16xf32, #tpu.memory_space<vmem>>)
      %ge3A = arith.constant 4 : i32
      %ge3A_286 = arith.cmpi sge, %scan3A_265, %ge3A : i32
      %convert_element_type3A_287 = arith.extui %ge3A_286 : i1 to i32
      %cond3A_288 = arith.constant 0 : i32
      %cond3A_289 = arith.cmpi ne, %convert_element_type3A_287, %cond3A_288 : i32
      scf.if %cond3A_289 {
        %sub3A_306 = arith.constant 4 : i32
        %sub3A_307 = arith.subi %scan3A_265, %sub3A_306 : i32
        %mul3A_308 = arith.constant 256 : i32
        %mul3A_309 = arith.muli %sub3A_307, %mul3A_308 : i32
        %dma_wait3A_310 = arith.constant 0 : i32
        %dma_wait3A_311 = arith.constant 0 : i32
        %dma_wait3A_312 = tpu.memref_slice %arg8[%rem3A_266, %dma_wait3A_310, %dma_wait3A_311] : memref<4x256x16xf32, #tpu.memory_space<vmem>> -> memref<1x256x16xf32, #tpu.memory_space<vmem>>
        %dma_wait3A_313 = tpu.memref_squeeze %dma_wait3A_312 : memref<1x256x16xf32, #tpu.memory_space<vmem>> -> memref<256x16xf32, #tpu.memory_space<vmem>>
        %dma_wait3A_314 = tpu.memref_slice %arg5[%mul3A_309, %mul3A_136] : memref<8192x1024xf32, #tpu.memory_space<hbm>> -> memref<256x16xf32, #tpu.memory_space<hbm>>
        %dma_wait3A_315 = tpu.memref_slice %arg10[%rem3A_266] : memref<4x!tpu.dma_semaphore, #tpu.memory_space<semaphore_mem>> -> memref<1x!tpu.dma_semaphore, #tpu.memory_space<semaphore_mem>>
        %dma_wait3A_316 = tpu.memref_squeeze %dma_wait3A_315 : memref<1x!tpu.dma_semaphore, #tpu.memory_space<semaphore_mem>> -> memref<!tpu.dma_semaphore, #tpu.memory_space<semaphore_mem>>
        %dma_wait3A_317 = tpu.memref_slice %arg5[%mul3A_309, %mul3A_136] : memref<8192x1024xf32, #tpu.memory_space<hbm>> -> memref<256x16xf32, #tpu.memory_space<hbm>>
        %dma_wait3A_318 = arith.constant 0 : i32
        %dma_wait3A_319 = arith.constant 0 : i32
        %dma_wait3A_320 = tpu.memref_slice %arg8[%rem3A_266, %dma_wait3A_318, %dma_wait3A_319] : memref<4x256x16xf32, #tpu.memory_space<vmem>> -> memref<1x256x16xf32, #tpu.memory_space<vmem>>
        %dma_wait3A_321 = tpu.memref_squeeze %dma_wait3A_320 : memref<1x256x16xf32, #tpu.memory_space<vmem>> -> memref<256x16xf32, #tpu.memory_space<vmem>>
        tpu.wait_dma2 semaphore(%dma_wait3A_316 : memref<!tpu.dma_semaphore, #tpu.memory_space<semaphore_mem>>) src(%dma_wait3A_321 : memref<256x16xf32, #tpu.memory_space<vmem>>) dst(%dma_wait3A_317 : memref<256x16xf32, #tpu.memory_space<hbm>>)
      } else {
      }
      %parallel_loop3A = arith.constant 0 : i32
      %parallel_loop3A_290 = arith.constant 256 : i32
      %parallel_loop3A_291 = arith.constant 1 : i32
      scf.for %parallel_loop3A_306 = %parallel_loop3A to %parallel_loop3A_290 step %parallel_loop3A_291  : i32 {
        %parallel_loop3A_307 = arith.index_cast %rem3A_266 : i32 to index
        %parallel_loop3A_308 = arith.index_cast %parallel_loop3A_306 : i32 to index
        %parallel_loop3A_309 = arith.constant 0 : index
        %parallel_loop3A_310 = tpu.vector_load %arg7[%parallel_loop3A_307, %parallel_loop3A_308, %parallel_loop3A_309] {strides = array<i32>} : memref<4x256x16xf32, #tpu.memory_space<vmem>>, vector<16xf32>,
        %parallel_loop3A_311 = vector.broadcast %squeeze3A : f32 to vector<16xf32>
        %parallel_loop3A_312 = arith.mulf %parallel_loop3A_310, %parallel_loop3A_311 : vector<16xf32>
        %parallel_loop3A_313 = arith.fptosi %parallel_loop3A_312 : vector<16xf32> to vector<16xi32>
        %parallel_loop3A_314 = arith.sitofp %parallel_loop3A_313 : vector<16xi32> to vector<16xf32>
        %parallel_loop3A_315 = arith.subf %parallel_loop3A_312, %parallel_loop3A_314 : vector<16xf32>
        %parallel_loop3A_316 = arith.constant 7 : i32
        %parallel_loop3A_317 = vector.broadcast %parallel_loop3A_316 : i32 to vector<16xi32>
        %parallel_loop3A_318 = arith.addi %parallel_loop3A_313, %parallel_loop3A_317 : vector<16xi32>
        %parallel_loop3A_319 = arith.constant 1 : i32
        %parallel_loop3A_320 = vector.broadcast %parallel_loop3A_319 : i32 to vector<16xi32>
        %parallel_loop3A_321 = arith.addi %parallel_loop3A_318, %parallel_loop3A_320 : vector<16xi32>
        %parallel_loop3A_322 = arith.constant 1 : i32
        %parallel_loop3A_323 = vector.broadcast %parallel_loop3A_322 : i32 to vector<16xi32>
        %parallel_loop3A_324 = arith.addi %parallel_loop3A_321, %parallel_loop3A_323 : vector<16xi32>
        %parallel_loop3A_325 = arith.constant 1 : i32
        %parallel_loop3A_326 = vector.broadcast %parallel_loop3A_325 : i32 to vector<16xi32>
        %parallel_loop3A_327 = arith.addi %parallel_loop3A_324, %parallel_loop3A_326 : vector<16xi32>
        %parallel_loop3A_328 = tpu.vector_load_idx %arg6[%iota3A, %parallel_loop3A_318] : memref<16x4105xf32, #tpu.memory_space<vmem>>[vector<16xi32>, vector<16xi32>], vector<16xf32>,
        %parallel_loop3A_329 = tpu.vector_load_idx %arg6[%iota3A, %parallel_loop3A_321] : memref<16x4105xf32, #tpu.memory_space<vmem>>[vector<16xi32>, vector<16xi32>], vector<16xf32>,
        %parallel_loop3A_330 = tpu.vector_load_idx %arg6[%iota3A, %parallel_loop3A_324] : memref<16x4105xf32, #tpu.memory_space<vmem>>[vector<16xi32>, vector<16xi32>], vector<16xf32>,
        %parallel_loop3A_331 = tpu.vector_load_idx %arg6[%iota3A, %parallel_loop3A_327] : memref<16x4105xf32, #tpu.memory_space<vmem>>[vector<16xi32>, vector<16xi32>], vector<16xf32>,
        %parallel_loop3A_332 = arith.mulf %parallel_loop3A_315, %parallel_loop3A_315 : vector<16xf32>
        %parallel_loop3A_333 = arith.mulf %parallel_loop3A_332, %parallel_loop3A_315 : vector<16xf32>
        %parallel_loop3A_334 = arith.constant 0.166666672 : f32
        %parallel_loop3A_335 = vector.broadcast %parallel_loop3A_334 : f32 to vector<16xf32>
        %parallel_loop3A_336 = arith.mulf %parallel_loop3A_333, %parallel_loop3A_335 : vector<16xf32>
        %parallel_loop3A_337 = arith.constant 5.000000e-01 : f32
        %parallel_loop3A_338 = vector.broadcast %parallel_loop3A_337 : f32 to vector<16xf32>
        %parallel_loop3A_339 = arith.mulf %parallel_loop3A_338, %parallel_loop3A_333 : vector<16xf32>
        %parallel_loop3A_340 = arith.subf %parallel_loop3A_339, %parallel_loop3A_332 : vector<16xf32>
        %parallel_loop3A_341 = arith.constant 0.666666686 : f32
        %parallel_loop3A_342 = vector.broadcast %parallel_loop3A_341 : f32 to vector<16xf32>
        %parallel_loop3A_343 = arith.addf %parallel_loop3A_340, %parallel_loop3A_342 : vector<16xf32>
        %parallel_loop3A_344 = arith.addf %parallel_loop3A_332, %parallel_loop3A_315 : vector<16xf32>
        %parallel_loop3A_345 = arith.subf %parallel_loop3A_344, %parallel_loop3A_333 : vector<16xf32>
        %parallel_loop3A_346 = arith.constant 5.000000e-01 : f32
        %parallel_loop3A_347 = vector.broadcast %parallel_loop3A_346 : f32 to vector<16xf32>
        %parallel_loop3A_348 = arith.mulf %parallel_loop3A_347, %parallel_loop3A_345 : vector<16xf32>
        %parallel_loop3A_349 = arith.constant 0.166666672 : f32
        %parallel_loop3A_350 = vector.broadcast %parallel_loop3A_349 : f32 to vector<16xf32>
        %parallel_loop3A_351 = arith.addf %parallel_loop3A_348, %parallel_loop3A_350 : vector<16xf32>
        %parallel_loop3A_352 = arith.constant 1.000000e+00 : f32
        %parallel_loop3A_353 = vector.broadcast %parallel_loop3A_352 : f32 to vector<16xf32>
        %parallel_loop3A_354 = arith.subf %parallel_loop3A_353, %parallel_loop3A_343 : vector<16xf32>
        %parallel_loop3A_355 = arith.subf %parallel_loop3A_354, %parallel_loop3A_351 : vector<16xf32>
        %parallel_loop3A_356 = arith.subf %parallel_loop3A_355, %parallel_loop3A_336 : vector<16xf32>
        %parallel_loop3A_357 = arith.mulf %parallel_loop3A_356, %parallel_loop3A_328 : vector<16xf32>
        %parallel_loop3A_358 = arith.mulf %parallel_loop3A_343, %parallel_loop3A_329 : vector<16xf32>
        %parallel_loop3A_359 = arith.addf %parallel_loop3A_357, %parallel_loop3A_358 : vector<16xf32>
        %parallel_loop3A_360 = arith.mulf %parallel_loop3A_351, %parallel_loop3A_330 : vector<16xf32>
        %parallel_loop3A_361 = arith.addf %parallel_loop3A_359, %parallel_loop3A_360 : vector<16xf32>
        %parallel_loop3A_362 = arith.mulf %parallel_loop3A_336, %parallel_loop3A_331 : vector<16xf32>
        %parallel_loop3A_363 = arith.addf %parallel_loop3A_361, %parallel_loop3A_362 : vector<16xf32>
        %parallel_loop3A_364 = arith.index_cast %rem3A_266 : i32 to index
        %parallel_loop3A_365 = arith.index_cast %parallel_loop3A_306 : i32 to index
        %parallel_loop3A_366 = arith.constant 0 : index
        %parallel_loop3A_367 = tpu.vector_load %arg8[%parallel_loop3A_364, %parallel_loop3A_365, %parallel_loop3A_366] {strides = array<i32>} : memref<4x256x16xf32, #tpu.memory_space<vmem>>, vector<16xf32>,
        tpu.vector_store %arg8[%parallel_loop3A_364, %parallel_loop3A_365, %parallel_loop3A_366], %parallel_loop3A_363 {strides = array<i32>} : memref<4x256x16xf32, #tpu.memory_space<vmem>>, vector<16xf32>,
      } {sc.loop_unroll_factor = 8 : i64, sc.parallel_access}
      %mul3A_292 = arith.constant 256 : i32
      %mul3A_293 = arith.muli %scan3A_265, %mul3A_292 : i32
      %dma_start3A_294 = arith.constant 0 : i32
      %dma_start3A_295 = arith.constant 0 : i32
      %dma_start3A_296 = tpu.memref_slice %arg8[%rem3A_266, %dma_start3A_294, %dma_start3A_295] : memref<4x256x16xf32, #tpu.memory_space<vmem>> -> memref<1x256x16xf32, #tpu.memory_space<vmem>>
      %dma_start3A_297 = tpu.memref_squeeze %dma_start3A_296 : memref<1x256x16xf32, #tpu.memory_space<vmem>> -> memref<256x16xf32, #tpu.memory_space<vmem>>
      %dma_start3A_298 = tpu.memref_slice %arg5[%mul3A_293, %mul3A_136] : memref<8192x1024xf32, #tpu.memory_space<hbm>> -> memref<256x16xf32, #tpu.memory_space<hbm>>
      %dma_start3A_299 = tpu.memref_slice %arg10[%rem3A_266] : memref<4x!tpu.dma_semaphore, #tpu.memory_space<semaphore_mem>> -> memref<1x!tpu.dma_semaphore, #tpu.memory_space<semaphore_mem>>
      %dma_start3A_300 = tpu.memref_squeeze %dma_start3A_299 : memref<1x!tpu.dma_semaphore, #tpu.memory_space<semaphore_mem>> -> memref<!tpu.dma_semaphore, #tpu.memory_space<semaphore_mem>>
      %dma_start3A_301 = tpu.memref_slice %arg5[%mul3A_293, %mul3A_136] : memref<8192x1024xf32, #tpu.memory_space<hbm>> -> memref<256x16xf32, #tpu.memory_space<hbm>>
      %dma_start3A_302 = arith.constant 0 : i32
      %dma_start3A_303 = arith.constant 0 : i32
      %dma_start3A_304 = tpu.memref_slice %arg8[%rem3A_266, %dma_start3A_302, %dma_start3A_303] : memref<4x256x16xf32, #tpu.memory_space<vmem>> -> memref<1x256x16xf32, #tpu.memory_space<vmem>>
      %dma_start3A_305 = tpu.memref_squeeze %dma_start3A_304 : memref<1x256x16xf32, #tpu.memory_space<vmem>> -> memref<256x16xf32, #tpu.memory_space<vmem>>
      tpu.enqueue_dma source(%dma_start3A_305 : memref<256x16xf32, #tpu.memory_space<vmem>>) target(%dma_start3A_301 : memref<256x16xf32, #tpu.memory_space<hbm>>) target_semaphore(%dma_start3A_300 : memref<!tpu.dma_semaphore, #tpu.memory_space<semaphore_mem>>)
    }
    %scan3A_200 = arith.constant 32 : i32
    %dma_wait3A_201 = arith.constant 0 : i32
    %dma_wait3A_202 = arith.constant 0 : i32
    %dma_wait3A_203 = arith.constant 0 : i32
    %dma_wait3A_204 = arith.constant 0 : i32
    %dma_wait3A_205 = tpu.memref_slice %arg8[%dma_wait3A_201, %dma_wait3A_203, %dma_wait3A_204] : memref<4x256x16xf32, #tpu.memory_space<vmem>> -> memref<1x256x16xf32, #tpu.memory_space<vmem>>
    %dma_wait3A_206 = tpu.memref_squeeze %dma_wait3A_205 : memref<1x256x16xf32, #tpu.memory_space<vmem>> -> memref<256x16xf32, #tpu.memory_space<vmem>>
    %dma_wait3A_207 = arith.constant 7168 : i32
    %dma_wait3A_208 = tpu.memref_slice %arg5[%dma_wait3A_207, %mul3A_136] : memref<8192x1024xf32, #tpu.memory_space<hbm>> -> memref<256x16xf32, #tpu.memory_space<hbm>>
    %dma_wait3A_209 = tpu.memref_slice %arg10[%dma_wait3A_202] : memref<4x!tpu.dma_semaphore, #tpu.memory_space<semaphore_mem>> -> memref<1x!tpu.dma_semaphore, #tpu.memory_space<semaphore_mem>>
    %dma_wait3A_210 = tpu.memref_squeeze %dma_wait3A_209 : memref<1x!tpu.dma_semaphore, #tpu.memory_space<semaphore_mem>> -> memref<!tpu.dma_semaphore, #tpu.memory_space<semaphore_mem>>
    %dma_wait3A_211 = arith.constant 7168 : i32
    %dma_wait3A_212 = tpu.memref_slice %arg5[%dma_wait3A_211, %mul3A_136] : memref<8192x1024xf32, #tpu.memory_space<hbm>> -> memref<256x16xf32, #tpu.memory_space<hbm>>
    %dma_wait3A_213 = arith.constant 0 : i32
    %dma_wait3A_214 = arith.constant 0 : i32
    %dma_wait3A_215 = tpu.memref_slice %arg8[%dma_wait3A_201, %dma_wait3A_213, %dma_wait3A_214] : memref<4x256x16xf32, #tpu.memory_space<vmem>> -> memref<1x256x16xf32, #tpu.memory_space<vmem>>
    %dma_wait3A_216 = tpu.memref_squeeze %dma_wait3A_215 : memref<1x256x16xf32, #tpu.memory_space<vmem>> -> memref<256x16xf32, #tpu.memory_space<vmem>>
    tpu.wait_dma2 semaphore(%dma_wait3A_210 : memref<!tpu.dma_semaphore, #tpu.memory_space<semaphore_mem>>) src(%dma_wait3A_216 : memref<256x16xf32, #tpu.memory_space<vmem>>) dst(%dma_wait3A_212 : memref<256x16xf32, #tpu.memory_space<hbm>>)
    %dma_wait3A_217 = arith.constant 1 : i32
    %dma_wait3A_218 = arith.constant 1 : i32
    %dma_wait3A_219 = arith.constant 0 : i32
    %dma_wait3A_220 = arith.constant 0 : i32
    %dma_wait3A_221 = tpu.memref_slice %arg8[%dma_wait3A_217, %dma_wait3A_219, %dma_wait3A_220] : memref<4x256x16xf32, #tpu.memory_space<vmem>> -> memref<1x256x16xf32, #tpu.memory_space<vmem>>
    %dma_wait3A_222 = tpu.memref_squeeze %dma_wait3A_221 : memref<1x256x16xf32, #tpu.memory_space<vmem>> -> memref<256x16xf32, #tpu.memory_space<vmem>>
    %dma_wait3A_223 = arith.constant 7424 : i32
    %dma_wait3A_224 = tpu.memref_slice %arg5[%dma_wait3A_223, %mul3A_136] : memref<8192x1024xf32, #tpu.memory_space<hbm>> -> memref<256x16xf32, #tpu.memory_space<hbm>>
    %dma_wait3A_225 = tpu.memref_slice %arg10[%dma_wait3A_218] : memref<4x!tpu.dma_semaphore, #tpu.memory_space<semaphore_mem>> -> memref<1x!tpu.dma_semaphore, #tpu.memory_space<semaphore_mem>>
    %dma_wait3A_226 = tpu.memref_squeeze %dma_wait3A_225 : memref<1x!tpu.dma_semaphore, #tpu.memory_space<semaphore_mem>> -> memref<!tpu.dma_semaphore, #tpu.memory_space<semaphore_mem>>
    %dma_wait3A_227 = arith.constant 7424 : i32
    %dma_wait3A_228 = tpu.memref_slice %arg5[%dma_wait3A_227, %mul3A_136] : memref<8192x1024xf32, #tpu.memory_space<hbm>> -> memref<256x16xf32, #tpu.memory_space<hbm>>
    %dma_wait3A_229 = arith.constant 0 : i32
    %dma_wait3A_230 = arith.constant 0 : i32
    %dma_wait3A_231 = tpu.memref_slice %arg8[%dma_wait3A_217, %dma_wait3A_229, %dma_wait3A_230] : memref<4x256x16xf32, #tpu.memory_space<vmem>> -> memref<1x256x16xf32, #tpu.memory_space<vmem>>
    %dma_wait3A_232 = tpu.memref_squeeze %dma_wait3A_231 : memref<1x256x16xf32, #tpu.memory_space<vmem>> -> memref<256x16xf32, #tpu.memory_space<vmem>>
    tpu.wait_dma2 semaphore(%dma_wait3A_226 : memref<!tpu.dma_semaphore, #tpu.memory_space<semaphore_mem>>) src(%dma_wait3A_232 : memref<256x16xf32, #tpu.memory_space<vmem>>) dst(%dma_wait3A_228 : memref<256x16xf32, #tpu.memory_space<hbm>>)
    %dma_wait3A_233 = arith.constant 2 : i32
    %dma_wait3A_234 = arith.constant 2 : i32
    %dma_wait3A_235 = arith.constant 0 : i32
    %dma_wait3A_236 = arith.constant 0 : i32
    %dma_wait3A_237 = tpu.memref_slice %arg8[%dma_wait3A_233, %dma_wait3A_235, %dma_wait3A_236] : memref<4x256x16xf32, #tpu.memory_space<vmem>> -> memref<1x256x16xf32, #tpu.memory_space<vmem>>
    %dma_wait3A_238 = tpu.memref_squeeze %dma_wait3A_237 : memref<1x256x16xf32, #tpu.memory_space<vmem>> -> memref<256x16xf32, #tpu.memory_space<vmem>>
    %dma_wait3A_239 = arith.constant 7680 : i32
    %dma_wait3A_240 = tpu.memref_slice %arg5[%dma_wait3A_239, %mul3A_136] : memref<8192x1024xf32, #tpu.memory_space<hbm>> -> memref<256x16xf32, #tpu.memory_space<hbm>>
    %dma_wait3A_241 = tpu.memref_slice %arg10[%dma_wait3A_234] : memref<4x!tpu.dma_semaphore, #tpu.memory_space<semaphore_mem>> -> memref<1x!tpu.dma_semaphore, #tpu.memory_space<semaphore_mem>>
    %dma_wait3A_242 = tpu.memref_squeeze %dma_wait3A_241 : memref<1x!tpu.dma_semaphore, #tpu.memory_space<semaphore_mem>> -> memref<!tpu.dma_semaphore, #tpu.memory_space<semaphore_mem>>
    %dma_wait3A_243 = arith.constant 7680 : i32
    %dma_wait3A_244 = tpu.memref_slice %arg5[%dma_wait3A_243, %mul3A_136] : memref<8192x1024xf32, #tpu.memory_space<hbm>> -> memref<256x16xf32, #tpu.memory_space<hbm>>
    %dma_wait3A_245 = arith.constant 0 : i32
    %dma_wait3A_246 = arith.constant 0 : i32
    %dma_wait3A_247 = tpu.memref_slice %arg8[%dma_wait3A_233, %dma_wait3A_245, %dma_wait3A_246] : memref<4x256x16xf32, #tpu.memory_space<vmem>> -> memref<1x256x16xf32, #tpu.memory_space<vmem>>
    %dma_wait3A_248 = tpu.memref_squeeze %dma_wait3A_247 : memref<1x256x16xf32, #tpu.memory_space<vmem>> -> memref<256x16xf32, #tpu.memory_space<vmem>>
    tpu.wait_dma2 semaphore(%dma_wait3A_242 : memref<!tpu.dma_semaphore, #tpu.memory_space<semaphore_mem>>) src(%dma_wait3A_248 : memref<256x16xf32, #tpu.memory_space<vmem>>) dst(%dma_wait3A_244 : memref<256x16xf32, #tpu.memory_space<hbm>>)
    %dma_wait3A_249 = arith.constant 3 : i32
    %dma_wait3A_250 = arith.constant 3 : i32
    %dma_wait3A_251 = arith.constant 0 : i32
    %dma_wait3A_252 = arith.constant 0 : i32
    %dma_wait3A_253 = tpu.memref_slice %arg8[%dma_wait3A_249, %dma_wait3A_251, %dma_wait3A_252] : memref<4x256x16xf32, #tpu.memory_space<vmem>> -> memref<1x256x16xf32, #tpu.memory_space<vmem>>
    %dma_wait3A_254 = tpu.memref_squeeze %dma_wait3A_253 : memref<1x256x16xf32, #tpu.memory_space<vmem>> -> memref<256x16xf32, #tpu.memory_space<vmem>>
    %dma_wait3A_255 = arith.constant 7936 : i32
    %dma_wait3A_256 = tpu.memref_slice %arg5[%dma_wait3A_255, %mul3A_136] : memref<8192x1024xf32, #tpu.memory_space<hbm>> -> memref<256x16xf32, #tpu.memory_space<hbm>>
    %dma_wait3A_257 = tpu.memref_slice %arg10[%dma_wait3A_250] : memref<4x!tpu.dma_semaphore, #tpu.memory_space<semaphore_mem>> -> memref<1x!tpu.dma_semaphore, #tpu.memory_space<semaphore_mem>>
    %dma_wait3A_258 = tpu.memref_squeeze %dma_wait3A_257 : memref<1x!tpu.dma_semaphore, #tpu.memory_space<semaphore_mem>> -> memref<!tpu.dma_semaphore, #tpu.memory_space<semaphore_mem>>
    %dma_wait3A_259 = arith.constant 7936 : i32
    %dma_wait3A_260 = tpu.memref_slice %arg5[%dma_wait3A_259, %mul3A_136] : memref<8192x1024xf32, #tpu.memory_space<hbm>> -> memref<256x16xf32, #tpu.memory_space<hbm>>
    %dma_wait3A_261 = arith.constant 0 : i32
    %dma_wait3A_262 = arith.constant 0 : i32
    %dma_wait3A_263 = tpu.memref_slice %arg8[%dma_wait3A_249, %dma_wait3A_261, %dma_wait3A_262] : memref<4x256x16xf32, #tpu.memory_space<vmem>> -> memref<1x256x16xf32, #tpu.memory_space<vmem>>
    %dma_wait3A_264 = tpu.memref_squeeze %dma_wait3A_263 : memref<1x256x16xf32, #tpu.memory_space<vmem>> -> memref<256x16xf32, #tpu.memory_space<vmem>>
    tpu.wait_dma2 semaphore(%dma_wait3A_258 : memref<!tpu.dma_semaphore, #tpu.memory_space<semaphore_mem>>) src(%dma_wait3A_264 : memref<256x16xf32, #tpu.memory_space<vmem>>) dst(%dma_wait3A_260 : memref<256x16xf32, #tpu.memory_space<hbm>>)
    return
  }
}

</mosaic_0001>

<sc_bundles>
// kernel: kernel.3.cloned.1.call-start
scs
__scs_entry_jumppad:
0x0: {  	(pc) =	sbr.rel $0x88, $3  }
0x1: {  	(tag) =	ssettag $0x0;
	lr =	simm.s32 $0x1  }
0x2: {  	[smem:$0x3F9F] =	sst lr;
	_ =	strace $0xD0000000  }
0x3: {  	_ = 	snop  }
0x4: {  	_ = 	snop  }
0x5: {  	_ = 	snop  }
0x6: {  	_ = 	snop  }
0x7: {  	_ = 	snop  }
__scs_overlays_trampoline_lowered:
0x8: {  	[smem:$0x3FAE] =	sst s0  }
0x9: {  	[smem:$0x3FAF] =	sst s1  }
0xa: {  	[smem:$0x3FB0] =	sst s2  }
0xb: {  	[smem:$0x3FB1] =	sst s3  }
0xc: {  	[smem:$0x3FB2] =	sst s4  }
0xd: {  	[smem:$0x3FB3] =	sst s5  }
0xe: {  	[smem:$0x3FB4] =	sst s6  }
0xf: {  	[smem:$0x3FB5] =	sst s7  }
0x10: {  	[smem:$0x3FB6] =	sst s8  }
0x11: {  	[smem:$0x3FB7] =	sst s9;
	s0 =	simm.s32 @!p0 $0x0  }
0x12: {  	s1 =	sld [smem:$0x3F9D];
	s0 =	simm.s32 @p0 $0x1  }
0x13: {  	[smem:$0x3FB8] =	sst s0;
	s0 =	simm.s32 @!p1 $0x0  }
0x14: {  	s2 =	sld [smem:$0x3F9C];
	s0 =	simm.s32 @p1 $0x1  }
0x15: {  	[smem:$0x3FB9] =	sst s0;
	s0 =	simm.s32 @!p2 $0x0  }
0x16: {  	s3 =	sld [smem:$0x3FDB];
	s0 =	simm.s32 @p2 $0x1  }
0x17: {  	s4 =	simm.s32 $0x1BF5;
	[smem:$0x3FBB] =	sst s0  }
0x18: {  	s0 =	sld [smem:$0x3F9E];
	_ =	swait.ge [sflag:s4], $0x0  }
0x19: {  	s7 =	sld [smem:$0x3F9F]  }
0x1a: {  	s8 =	sadd.s32 $0xFFFFE003, lr  }
0x1b: {  	s9 =	sadd.s32 $0xFFFFFEF7, lr;
	s5 =	simm.s32 $0xFFFFFFFF;
	p2 =	slt.u32 s8, $0xFFFFF086  }
0x1c: {  	p1 =	slt.u32 s9, $0xF7A;
	s5 =	simm.s32 @!p2 $0x0  }
0x1d: {  	s5 =	simm.s32 @p1 $0x1;
	p0 =	seq.s32 s7, s2  }
0x1e: {  	s7 =	smul.u32 @!p0 $0xF7A, s2;
	p2 =	seq.s32 @!p0 s5, $0x0  }
0x1f: {  	s9 =	smul.u32 $0xF7A, s1;
	s8 =	simm.s32 @!p0 $0x1BF5;
	p2 =	por !p2, p0  }
0x20: {  	[sflag:s8] =	ssyncset.s32 @!p0 $0xFFFFF086;
	s6 =	sadd.s32 @!p0 s3, s7;
	s7 =	simm.s32 @!p0 $0x108  }
0x21: {  	s3 =	sadd.s32 s3, s9;
	s6 =	sadd.s32 @!p0 $0x88, s6;
	s7 =	simm.s32 @p2 $0x1082  }
0x22: {  	[simem:s7], [sflag:s8] =	dma.local @!p0 [hbm:s6], $0xF7A  }
0x23: {  	s9 =	sor.u32 $0xD0000000, s2;
	s6 =	simm.s32 $0x108;
	_ =	swait.ge @!p0 [sflag:s8], $0x0  }
0x24: {  	s3 =	sadd.s32 $0x88, s3;
	s6 =	simm.s32 @!p1 $0x1082;
	[sflag:s4] =	ssyncset.s32 $0xFFFFF086  }
0x25: {  	[simem:s6], [sflag:s4] =	dma.local [hbm:s3], $0xF7A  }
0x26: {  	[smem:$0x3F9F] =	sst s1;
	(tag) =	ssettag s2;
	_ =	strace s9  }
0x27: {  	s1 =	sld [smem:$0x3FAF]  }
0x28: {  	s2 =	sld [smem:$0x3FB0]  }
0x29: {  	s4 =	sld [smem:$0x3FB2]  }
0x2a: {  	p0 =	seq.s32 s5, $0x0;
	s5 =	sld [smem:$0x3FB3]  }
0x2b: {  	s6 =	sld [smem:$0x3FB4]  }
0x2c: {  	s7 =	sld [smem:$0x3FB5]  }
0x2d: {  	s3 =	simm.s32 $0x108;
	s8 =	sld [smem:$0x3FB6]  }
0x2e: {  	s3 =	simm.s32 @!p0 $0x1082;
	s9 =	sld [smem:$0x3FB7]  }
0x2f: {  	lr =	sadd.s32 s0, s3;
	s0 =	sld [smem:$0x3FAE]  }
0x30: {  	s3 =	sld [smem:$0x3FB1]  }
0x31: {  	[smem:$0x3FBA] =	sst s10  }
0x32: {  	s10 =	sld [smem:$0x3FB8];
	_ =	sdelay $0x3  }
0x33: {  	p0 =	seq.s32 s10, $0x1;
	s10 =	sld [smem:$0x3FBA];
	_ =	sdelay $0x3  }
0x34: {  	[smem:$0x3FBA] =	sst s10  }
0x35: {  	s10 =	sld [smem:$0x3FB9];
	_ =	sdelay $0x3  }
0x36: {  	p1 =	seq.s32 s10, $0x1;
	s10 =	sld [smem:$0x3FBA];
	_ =	sdelay $0x3  }
0x37: {  	[smem:$0x3FBA] =	sst s10  }
0x38: {  	s10 =	sld [smem:$0x3FBB]  }
0x39: {  	_ = 	snop;
	(pc) =	sbr.ind lr, $3  }
0x3a: {  	_ = 	snop  }
0x3b: {  	_ = 	snop  }
0x3c: {  	p2 =	seq.s32 s10, $0x1;
	s10 =	sld [smem:$0x3FBA]  }
0x3d: {  	_ =	shalt  }
0x3e: {  	_ =	shalt  }
0x3f: {  	_ =	shalt  }
0x40: {  	_ =	shalt  }
0x41: {  	_ =	shalt  }
0x42: {  	_ =	shalt  }
0x43: {  	_ =	shalt  }
0x44: {  	_ =	shalt  }
0x45: {  	_ =	shalt  }
0x46: {  	_ =	shalt  }
0x47: {  	_ =	shalt  }
0x48: {  	_ =	shalt  }
0x49: {  	_ =	shalt  }
0x4a: {  	_ =	shalt  }
0x4b: {  	_ =	shalt  }
0x4c: {  	_ =	shalt  }
0x4d: {  	_ =	shalt  }
0x4e: {  	_ =	shalt  }
0x4f: {  	_ =	shalt  }
0x50: {  	_ =	shalt  }
0x51: {  	_ =	shalt  }
0x52: {  	_ =	shalt  }
0x53: {  	_ =	shalt  }
0x54: {  	_ =	shalt  }
0x55: {  	_ =	shalt  }
0x56: {  	_ =	shalt  }
0x57: {  	_ =	shalt  }
0x58: {  	_ =	shalt  }
0x59: {  	_ =	shalt  }
0x5a: {  	_ =	shalt  }
0x5b: {  	_ =	shalt  }
0x5c: {  	_ =	shalt  }
0x5d: {  	_ =	shalt  }
0x5e: {  	_ =	shalt  }
0x5f: {  	_ =	shalt  }
0x60: {  	_ =	shalt  }
0x61: {  	_ =	shalt  }
0x62: {  	_ =	shalt  }
0x63: {  	_ =	shalt  }
0x64: {  	_ =	shalt  }
0x65: {  	_ =	shalt  }
0x66: {  	_ =	shalt  }
0x67: {  	_ =	shalt  }
0x68: {  	_ =	shalt  }
0x69: {  	_ =	shalt  }
0x6a: {  	_ =	shalt  }
0x6b: {  	_ =	shalt  }
0x6c: {  	_ =	shalt  }
0x6d: {  	_ =	shalt  }
0x6e: {  	_ =	shalt  }
0x6f: {  	_ =	shalt  }
0x70: {  	_ =	shalt  }
0x71: {  	_ =	shalt  }
0x72: {  	_ =	shalt  }
0x73: {  	_ =	shalt  }
0x74: {  	_ =	shalt  }
0x75: {  	_ =	shalt  }
0x76: {  	_ =	shalt  }
0x77: {  	_ =	shalt  }
0x78: {  	_ =	shalt  }
0x79: {  	_ =	shalt  }
0x7a: {  	_ =	shalt  }
0x7b: {  	_ =	shalt  }
0x7c: {  	_ =	shalt  }
0x7d: {  	_ =	shalt  }
0x7e: {  	_ =	shalt  }
0x7f: {  	_ =	shalt  }
0x80: {  	_ =	shalt  }
0x81: {  	_ =	shalt  }
0x82: {  	_ =	shalt  }
0x83: {  	_ =	shalt  }
0x84: {  	_ =	shalt  }
0x85: {  	_ =	shalt  }
0x86: {  	_ =	shalt  }
0x87: {  	_ =	shalt  }
.Lfunc_end0:
.L_simem_size_0:
called_computation.1_lowered:
.L_overlay_start_0:
0x88: {  	s2 =	sld [smem:$0x3FD9]  }
0x89: {  	s3 =	sld [smem:$0x3FFE];
	_ =	sdelay $0x1  }
0x8a: {  	s1 =	srdreg.scid  }
0x8b: {  	s0 =	sand.u32 $0x1, s1  }
0x8c: {  	s17 =	sshll.u32 s0, $0xA;
	s2 =	sadd.s32 s3, s2  }
0x8d: {  	s2 =	sadd.s32 s2, s17  }
0x8e: {  	[smem:$0x3FC6] =	sst s2  }
0x8f: {  	_ = 	snop  }
0x90: {  	s2 =	sld [smem:$0x3FC8]  }
0x91: {  	s18 =	sld [smem:$0x3FD0];
	(tm) =	ssettm $0x1  }
0x92: {  	s4 =	sld [smem:$0x3FFB];
	_ =	sdelay $0x3  }
0x93: {  	_ =	strace s4  }
0x94: {  	s4 =	sld [smem:$0x3FFC];
	_ =	sdelay $0x3  }
0x95: {  	_ =	strace s4  }
0x96: {  	s4 =	sld [smem:$0x3FFD];
	_ =	sdelay $0x3  }
0x97: {  	_ =	strace s4  }
0x98: {  	_ =	strace $0x8FFFFFFF  }
0x99: {  	s19 =	sld [smem:$0x3FDB];
	_ =	sdelay $0x1  }
0x9a: {  	s5 =	simm.s32 $_scs_section_size  }
0x9b: {  	s6 =	simm.s32 $_size__tile_overlayer_lowered;
	s7 =	simm.s32 $_tile_overlayer_lowered  }
0x9c: {  	s22 =	simm.s32 $0x1BFF;
	s21 =	sshll.u32 s7, $0x1;
	s4 =	sadd.s32 s5, s19  }
0x9d: {  	s8 =	simm.s32 $0x0;
	s20 =	sshll.u32 s6, $0x1;
	s6 =	sadd.s32 s21, s4  }
0x9e: {  	[timem:s8], [sflag:s22] =	dma.local [hbm:s6], s20  }
0x9f: {  	_ =	swait.ge [sflag:s22], s20  }
0xa0: {  	s5 =	ssub.s32 $0x0, s20;
	[sflag:s22] =	ssyncset.done $0x0  }
0xa1: {  	[sflag:s22] =	ssyncadd.s32 s5;
	_ =	sdelay $0x1  }
0xa2: {  	s23 =	simm.s32 $0x1B8B  }
0xa3: {  	_ =	swait.ge [sflag:s23], $0x1  }
0xa4: {  	[sflag:s23] =	ssyncset.done $0x0  }
0xa5: {  	s25 =	simm.s32 $0x1B8E;
	s24 =	sld [smem:$0x3FFE];
	[sflag:s23] =	ssyncadd.s32 $0xFFFFFFFF  }
0xa6: {  	s26 =	simm.s32 $execute0_lowered;
	[smem:$0x3FD2] =	sst s25  }
0xa7: {  	s6 =	sshll.u32 s26, $0x1;
	_ =	strace $0x80000049;
	[dreg:$0x1] =	wrdreg $0xFFFFFFFF  }
0xa8: {  	s28 =	simm.s32 $_size_execute0_lowered;
	s4 =	sadd.s32 s4, s6;
	[dreg:$0x0] =	wrdreg $0x0  }
0xa9: {  	s6 =	sshll.u32 s28, $0x1;
	[dreg:$0x2] =	wrdreg s4  }
0xaa: {  	[dreg:$0x3] =	wrdreg s6  }
0xab: {  	[dreg:$0x4] =	wrdreg $0xC0  }
0xac: {  	_ =	task [dreg:s8], $0x5FFFF  }
0xad: {  	[dreg:$0x1] =	wrdreg $0xFFFFFFFF  }
0xae: {  	[dreg:$0x0] =	wrdreg $0x60  }
0xaf: {  	[dreg:$0x2] =	wrdreg s18  }
0xb0: {  	[dreg:$0x3] =	wrdreg s2  }
0xb1: {  	[dreg:$0x4] =	wrdreg s24  }
0xb2: {  	[dreg:$0x5] =	wrdreg $0x9  }
0xb3: {  	_ =	task.clear_ibuf [dreg:s8], $0x6FFFF;
	_ =	strace $0x90000049  }
0xb4: {  	s29 =	simm.s32 $0x9;
	_ =	strace $0x8000004B  }
0xb5: {  	_ =	swait.ge [sflag:s29], $0x1  }
0xb6: {  	[sflag:s29] =	ssyncadd.s32 $0xFFFFFFFF  }
0xb7: {  	_ =	strace $0x9000004B  }
0xb8: {  	_ =	sfence  }
0xb9: {  	s30 =	sld [smem:$0x0];
	_ =	sdelay $0x2  }
0xba: {  	s31 =	sshll.u32 s1, $0xD;
	s1 =	sshrl.u32 s1, $0x2  }
0xbb: {  	s3 =	sand.u32 $0x4000, s31;
	s1 =	sadd.s32 s1, s30  }
0xbc: {  	s0 =	sor.u32 s3, s0;
	s1 =	sshll.u32 s1, $0x11  }
0xbd: {  	s0 =	sor.u32 s1, s0  }
0xbe: {  	s0 =	sadd.s32 $0x8F2B, s0  }
0xbf: {  	[sflag:s0] =	ssyncadd.remote.s32 $0x1  }
0xc0: {  	_ =	sfence.sel $0xFFFF  }
0xc1: {  	[dreg:$0x0] =	wrdreg $0xFFFFFFFF;
	(pc) =	sbr.abs _section_cstart, $3  }
0xc2: {  	[dreg:$0x1] =	wrdreg $0xFFFFFFFF  }
0xc3: {  	_ =	task.clear_ibuf [dreg:s8], $0x2FFFF;
	_ =	strace $0x9FFFFFFF  }
0xc4: {  	(tm) =	ssettm $0x7FFFFFFF  }
0xc5: {  	_ =	shalt  }
tec
execute0_lowered:
.L_overlay_start_1:
0x0: {  	(tag) =	ssettag $0x1  }
0x1: {  	s1 =	rddreg [dreg:$0x0]  }
0x2: {  	s0 =	rddreg [dreg:$0x1]  }
0x3: {  	s3 =	rddreg [dreg:$0x2]  }
0x4: {  	s2 =	simm.s32 $0x0;
	s4 =	srdreg.scid;
	s5 =	stileid.u32  }
0x5: {  	s18 =	simm.s32 $0x9;
	s19 =	simm.s32 $0x8;
	s28 =	simm.s32 $0x400  }
0x6: {  	s29 =	simm.s32 $0x10100;
	s30 =	simm.s32 $0x11100;
	s31 =	simm.s32 $0x12100  }
0x7: {  	s17 =	simm.s32 $0x0;
	[smem:$0x7FF] =	sst s2;
	s4 =	sand.u32 $0x1, s4  }
0x8: {  	s7 =	sadd.s32 $0x800, s3;
	s8 =	sshll.u32 s5, $0x1;
	s5 =	sadd.s32 $0xA00, s3  }
0x9: {  	s3 =	simm.s32 $0x7;
	s6 =	ssub.s32 $0x2, s4;
	s4 =	sor.u32 s4, s8  }
0xa: {  	_ =	strace $0x8000004A;
	s20 =	sshrl.u32 s6, $0x1;
	s22 =	sshll.u32 s4, $0xE  }
0xb: {  	s21 =	ssub.s32 s6, s20;
	s6 =	sshll.u32 s4, $0x5;
	s4 =	sshll.u32 s4, $0x2  }
0xc: {  	[dreg:$0x4] =	wrdreg s7;
	s7 =	sadd.s32 s0, s22;
	s8 =	sadd.s32 s1, s4  }
0xd: {  	s9 =	sor.u32 $0x10, s6;
	s16 =	smax.u32 s21, $0x1;
	s20 =	sadd.s32 $0x200, s7  }
0xe: {  	s22 =	sadd.s32 $0x400, s7;
	s4 =	sadd.s32 $0x8000, s8;
	s23 =	sshll.u32 s9, $0x9  }
0xf: {  	v0 =	vlaneseq.u32;
	s10 =	sshrl.u32 s9, $0x3;
	s11 =	sadd.s32 $0x10000, s8;
	[dreg:$0x5] =	wrdreg s4  }
0x10: {  	v5 =	vmul.u32 $0x1010, v0;
	s25 =	sadd.s32 $0x8002, s8;
	s26 =	sadd.s32 $0x10002, s8;
	[dreg:$0x6] =	wrdreg s11  }
0x11: {  	s12 =	sadd.s32 s0, s23;
	s24 =	sadd.s32 s1, s10;
	[dreg:$0x8] =	wrdreg s25  }
0x12: {  	v0 =	vor.u32 $0x8, v5;
	v1 =	vor.u32 $0x7, v5;
	v2 =	vadd.s32 $0x1007, v5;
	[dreg:$0x9] =	wrdreg s26;
	s26 =	simm.s32 $0x10;
	s0 =	simm.s32 $0x5  }
0x13: {  	v3 =	vadd.s32 $0x1008, v5;
	v4 =	vor.u32 $0x9, v5;
	v5 =	vor.u32 $0xA, v5;
	s10 =	simm.s32 $0x6;
	[dreg:$0x7] =	wrdreg s24;
	s24 =	sadd.s32 $0x600, s7  }
.LBB2_1:
0x14: {  	s4 =	rddreg [dreg:$0x4];
	s11 =	simm.s32 $0x18100  }
0x15: {  	[tilespmem:s11], [sflag:$0x9] =	stream.linear.gather [hbm4b:s4+s2], $0x1, $0x38;
	[tilespmem:$0x18110] =	vst v63  }
0x16: {  	_ =	swait.ge [sflag:s18], $0x1  }
0x17: {  	[sflag:s18] =	ssyncset.done $0x0  }
0x18: {  	[sflag:s18] =	ssyncadd.s32 $0xFFFFFFFF  }
0x19: {  	v6 =	vld.msk [tilespmem:$0x18100 ss:$0x0], $0xffff;
	[tilespmem:s19], [sflag:$0x9] =	stream.linear.gather [hbm4b:s7+s2], $0x1000, $0x38  }
0x1a: {  	s14 =	simm.s32 $0x1018  }
0x1b: {  	[tilespmem:s14], [sflag:$0x9] =	stream.linear.gather [hbm4b:s20+s2], $0x1000, $0x38;
	[tilespmem:$0x18110] =	vst v63  }
0x1c: {  	s15 =	simm.s32 $0x2028  }
0x1d: {  	[tilespmem:s15], [sflag:$0x9] =	stream.linear.gather [hbm4b:s22+s2], $0x1000, $0x38;
	[tilespmem:$0x18110] =	vst v63  }
0x1e: {  	s21 =	simm.s32 $0x3038  }
0x1f: {  	[tilespmem:s21], [sflag:$0x9] =	stream.linear.gather [hbm4b:s24+s2], $0x1000, $0x38;
	[tilespmem:$0x18110] =	vst v63  }
0x20: {  	s23 =	sadd.s32 $0x800, s7;
	s25 =	simm.s32 $0x4048  }
0x21: {  	[tilespmem:s25], [sflag:$0x9] =	stream.linear.gather [hbm4b:s23+s2], $0x1000, $0x38;
	[tilespmem:$0x18110] =	vst v63  }
0x22: {  	s13 =	sadd.s32 $0xA00, s7;
	s14 =	simm.s32 $0x5058  }
0x23: {  	[tilespmem:s14], [sflag:$0x9] =	stream.linear.gather [hbm4b:s13+s2], $0x1000, $0x38;
	[tilespmem:$0x18110] =	vst v63  }
0x24: {  	s15 =	sadd.s32 $0xC00, s7;
	s21 =	simm.s32 $0x6068  }
0x25: {  	[tilespmem:s21], [sflag:$0x9] =	stream.linear.gather [hbm4b:s15+s2], $0x1000, $0x38;
	[tilespmem:$0x18110] =	vst v63  }
0x26: {  	s23 =	sadd.s32 $0xE00, s7;
	s25 =	simm.s32 $0x7078  }
0x27: {  	[tilespmem:s25], [sflag:$0x9] =	stream.linear.gather [hbm4b:s23+s2], $0x1000, $0x38;
	[tilespmem:$0x18110] =	vst v63  }
0x28: {  	s13 =	sadd.s32 $0x1000, s7;
	s14 =	simm.s32 $0x8088  }
0x29: {  	[tilespmem:s14], [sflag:$0x9] =	stream.linear.gather [hbm4b:s13+s2], $0x1000, $0x38;
	[tilespmem:$0x18110] =	vst v63  }
0x2a: {  	s15 =	sadd.s32 $0x1200, s7;
	s21 =	simm.s32 $0x9098  }
0x2b: {  	[tilespmem:s21], [sflag:$0x9] =	stream.linear.gather [hbm4b:s15+s2], $0x1000, $0x38;
	[tilespmem:$0x18110] =	vst v63  }
0x2c: {  	s23 =	sadd.s32 $0x1400, s7;
	s25 =	simm.s32 $0xA0A8  }
0x2d: {  	[tilespmem:s25], [sflag:$0x9] =	stream.linear.gather [hbm4b:s23+s2], $0x1000, $0x38;
	[tilespmem:$0x18110] =	vst v63  }
0x2e: {  	s13 =	sadd.s32 $0x1600, s7;
	s14 =	simm.s32 $0xB0B8  }
0x2f: {  	[tilespmem:s14], [sflag:$0x9] =	stream.linear.gather [hbm4b:s13+s2], $0x1000, $0x38;
	[tilespmem:$0x18110] =	vst v63  }
0x30: {  	s15 =	sadd.s32 $0x1800, s7;
	s21 =	simm.s32 $0xC0C8  }
0x31: {  	[tilespmem:s21], [sflag:$0x9] =	stream.linear.gather [hbm4b:s15+s2], $0x1000, $0x38;
	[tilespmem:$0x18110] =	vst v63  }
0x32: {  	s23 =	sadd.s32 $0x1A00, s7;
	s25 =	simm.s32 $0xD0D8  }
0x33: {  	[tilespmem:s25], [sflag:$0x9] =	stream.linear.gather [hbm4b:s23+s2], $0x1000, $0x38;
	[tilespmem:$0x18110] =	vst v63  }
0x34: {  	s13 =	sadd.s32 $0x1C00, s7;
	s14 =	simm.s32 $0xE0E8  }
0x35: {  	[tilespmem:s14], [sflag:$0x9] =	stream.linear.gather [hbm4b:s13+s2], $0x1000, $0x38;
	[tilespmem:$0x18110] =	vst v63  }
0x36: {  	s15 =	sadd.s32 $0x1E00, s7;
	s21 =	simm.s32 $0xF0F8  }
0x37: {  	[tilespmem:s21], [sflag:$0x9] =	stream.linear.gather [hbm4b:s15+s2], $0x1000, $0x38;
	[tilespmem:$0x18110] =	vst v63  }
0x38: {  	_ =	swait.ge [sflag:s18], $0x10000  }
0x39: {  	[sflag:s18] =	ssyncset.done $0x0  }
0x3a: {  	[sflag:s18] =	ssyncadd.s32 $0xFFFF0000  }
0x3b: {  	v7 =	vld.idx.msk [tilespmem:v0+s2+$0x0], $0xffff;
	_ =	sdelay $0x4  }
0x3c: {  	[tilespmem:v1+s2+$0x0] =	vst.idx.msk $0xffff, v7  }
0x3d: {  	v7 =	vld.idx.msk [tilespmem:v2+s2+$0x0], $0xffff;
	_ =	sdelay $0x4  }
0x3e: {  	[tilespmem:v3+s2+$0x0] =	vst.idx.msk $0xffff, v7  }
0x3f: {  	[tilespmem:s29], [sflag:$0x1] =	stream.strided.gather [hbm4b:s8+s26], $0x1000, s28, s26, $0x38;
	[tilespmem:$0x18110] =	vst v63  }
0x40: {  	s23 =	rddreg [dreg:$0x5]  }
0x41: {  	[tilespmem:s30], [sflag:$0x2] =	stream.strided.gather [hbm4b:s23+s26], $0x1000, s28, s26, $0x38;
	[tilespmem:$0x18110] =	vst v63  }
0x42: {  	s11 =	simm.s32 $0x0;
	s4 =	simm.s32 $0x0;
	s25 =	rddreg [dreg:$0x6]  }
0x43: {  	[tilespmem:s31], [sflag:$0x3] =	stream.strided.gather [hbm4b:s25+s26], $0x1000, s28, s26, $0x38;
	[tilespmem:$0x18110] =	vst v63  }
.LBB2_2:
0x44: {  	p0 =	sgt.u32 s4, $0x1C  }
0x45: {  	s13 =	sadd.s32 @!p0 $0x3, s4  }
0x46: {  	s23 =	simm.s32 @!p0 $0x10;
	s14 =	sshll.u32 @!p0 s13, $0x12  }
0x47: {  	s25 =	simm.s32 @!p0 $0x400;
	s15 =	sand.u32 @!p0 $0x3, s13;
	s14 =	sor.u32 @!p0 s6, s14  }
0x48: {  	s13 =	sand.u32 $0x3, s4;
	s21 =	sshll.u32 @!p0 s15, $0xC;
	s14 =	sshrl.u32 @!p0 s14, $0x3  }
0x49: {  	s15 =	sadd.s32 @!p0 $0x1, s15;
	s21 =	sor.u32 @!p0 $0x10100, s21;
	s14 =	sadd.s32 @!p0 s1, s14  }
0x4a: {  	[tilespmem:s21], [sflag:s15] =	stream.strided.gather @!p0 [hbm4b:s14+s23], $0x1000, s25, s23, $0x38;
	[tilespmem:$0x18110] =	vst v63  }
0x4b: {  	s21 =	sadd.s32 $0x1, s13  }
0x4c: {  	_ =	swait.ge [sflag:s21], $0x1000  }
0x4d: {  	p0 =	slt.u32 s4, $0x4;
	[sflag:s21] =	ssyncset.done $0x0  }
0x4e: {  	[sflag:s21] =	ssyncadd.s32 $0xFFFFF000;
	s21 =	sadd.s32 @!p0 $0x5, s13  }
0x4f: {  	s23 =	sshll.u32 s11, $0xC;
	_ =	swait.ge @!p0 [sflag:s21], $0x1000  }
0x50: {  	s25 =	sand.u32 $0x3000, s23;
	[sflag:s21] =	ssyncset.done @!p0 $0x0  }
0x51: {  	s14 =	sor.u32 $0x10140, s25;
	[sflag:s21] =	ssyncadd.s32 @!p0 $0xFFFFF000  }
0x52: {  	v7 =	vld [tilespmem:s14+$0xFFFFFFD0]  }
0x53: {  	v8 =	vld [tilespmem:s14+$0x30]  }
0x54: {  	v9 =	vld [tilespmem:s14+$0xFFFFFFC0]  }
0x55: {  	v10 =	vld [tilespmem:s14+$0x20]  }
0x56: {  	v11 =	vld [tilespmem:s14+$0xFFFFFFF0]  }
0x57: {  	v12 =	vld [tilespmem:s14+$0xFFFFFFE0]  }
0x58: {  	v14 =	vld [tilespmem:s14+$0x0];
	_ =	sdelay $0x1  }
0x59: {  	v16 =	vmul.f32 v7, v6  }
0x5a: {  	v13 =	vld [tilespmem:s14+$0x10];
	v7 =	vmul.f32 v9, v6;
	v10 =	vmul.f32 v10, v6  }
0x5b: {  	v8 =	vmul.f32 v8, v6;
	v18 =	vmul.f32 v11, v6  }
0x5c: {  	v12 =	vmul.f32 v12, v6;
	v20 =	vmul.f32 v14, v6  }
0x5d: {  	v15 =	vtrunc.f32 v16;
	v17 =	vtrunc.f32 v7  }
0x5e: {  	v9 =	vtrunc.f32 v8;
	v11 =	vtrunc.f32 v18  }
0x5f: {  	v19 =	vcvt.f32.s32 v9;
	v9 =	vmul.f32 v13, v6  }
0x60: {  	v13 =	vtrunc.f32 v10;
	v23 =	vcvt.f32.s32 v11  }
0x61: {  	v11 =	vtrunc.f32 v20;
	v35 =	vcvt.f32.s32 v15  }
0x62: {  	v51 =	vcvt.f32.s32 v17;
	v24 =	vcvt.f32.s32 v13  }
0x63: {  	v25 =	vcvt.f32.s32 v11;
	v21 =	vcvt.s32.f32 v19  }
0x64: {  	v22 =	vadd.s32 v4, v19;
	v14 =	vadd.s32 v5, v19;
	v26 =	vadd.s32 v1, v23  }
0x65: {  	v28 =	vadd.s32 v4, v23;
	v29 =	vcvt.s32.f32 v23;
	v32 =	vadd.s32 v5, v23  }
0x66: {  	v23 =	vadd.s32 v0, v23;
	v39 =	vcvt.s32.f32 v35;
	v42 =	vadd.s32 v4, v35  }
0x67: {  	v44 =	vadd.s32 v0, v35;
	v47 =	vadd.s32 v1, v35;
	v35 =	vadd.s32 v5, v35  }
0x68: {  	v13 =	vcvt.s32.f32 v24;
	v11 =	vadd.s32 v4, v25;
	v8 =	vsub.f32 v8, v21  }
0x69: {  	v33 =	vadd.s32 v1, v24;
	v15 =	vcvt.s32.f32 v25;
	v41 =	vadd.s32 v0, v24  }
0x6a: {  	v58 =	vadd.s32 v4, v24;
	v21 =	vadd.s32 v1, v19;
	v27 =	vmul.f32 v8, v8  }
0x6b: {  	v19 =	vadd.s32 v0, v19;
	v18 =	vsub.f32 v18, v29;
	v29 =	vtrunc.f32 v9  }
0x6c: {  	v16 =	vsub.f32 v16, v39;
	v30 =	vsub.f32 v10, v13;
	v31 =	vmul.f32 v27, v8  }
0x6d: {  	v10 =	vadd.s32 v1, v25;
	v13 =	vadd.s32 v0, v25;
	v20 =	vsub.f32 v20, v15  }
0x6e: {  	v29 =	vcvt.f32.s32 v29;
	v8 =	vadd.f32 v27, v8;
	v36 =	vmul.f32 $5.000000000e-01, v31  }
0x6f: {  	v25 =	vadd.s32 v5, v25;
	v38 =	vmul.f32 v18, v18;
	v48 =	vmul.f32 v16, v16  }
0x70: {  	v34 =	vmul.f32 v30, v30;
	v8 =	vsub.f32 v8, v31;
	v27 =	vsub.f32 v36, v27  }
0x71: {  	v40 =	vmul.f32 v20, v20;
	v49 =	vadd.s32 v0, v29;
	v50 =	vadd.s32 v5, v29  }
0x72: {  	v56 =	vmul.f32 v38, v18;
	v8 =	vmul.f32 $5.000000000e-01, v8;
	v27 =	vadd.f32 $6.666666860e-01, v27  }
0x73: {  	v14 =	vld.idx.msk [tilespmem:v14+s2+$0x0], $0xffff;
	v18 =	vadd.f32 v38, v18;
	v37 =	vadd.f32 v34, v30;
	v30 =	vmul.f32 v34, v30  }
0x74: {  	v19 =	vld.idx.msk [tilespmem:v19+s2+$0x0], $0xffff;
	v45 =	vmul.f32 v40, v20;
	v8 =	vadd.f32 $1.666666720e-01, v8;
	v15 =	vsub.f32 $1.000000000e+00, v27  }
0x75: {  	v21 =	vld.idx.msk [tilespmem:v21+s2+$0x0], $0xffff;
	v20 =	vadd.f32 v40, v20;
	v31 =	vmul.f32 $1.666666720e-01, v31;
	v46 =	vmul.f32 $1.666666720e-01, v56  }
0x76: {  	v22 =	vld.idx.msk [tilespmem:v22+s2+$0x0], $0xffff;
	v18 =	vsub.f32 v18, v56;
	v55 =	vmul.f32 $5.000000000e-01, v30;
	v43 =	vsub.f32 v15, v8  }
0x77: {  	v37 =	vsub.f32 v37, v30;
	v57 =	vmul.f32 $5.000000000e-01, v45;
	v30 =	vmul.f32 $1.666666720e-01, v30  }
0x78: {  	v18 =	vmul.f32 $5.000000000e-01, v18;
	v14 =	vmul.f32 v31, v14;
	v43 =	vsub.f32 v43, v31  }
0x79: {  	v34 =	vsub.f32 v55, v34;
	v37 =	vmul.f32 $5.000000000e-01, v37;
	v55 =	vtrunc.f32 v12  }
0x7a: {  	v20 =	vsub.f32 v20, v45;
	v19 =	vmul.f32 v27, v19;
	v21 =	vmul.f32 v43, v21  }
0x7b: {  	v39 =	vsub.f32 v57, v40;
	v27 =	vmul.f32 $5.000000000e-01, v56;
	v8 =	vmul.f32 v8, v22  }
0x7c: {  	v19 =	vadd.f32 v21, v19;
	v21 =	vadd.f32 v48, v16;
	v16 =	vmul.f32 v48, v16  }
0x7d: {  	v40 =	vadd.s32 v0, v51;
	v20 =	vmul.f32 $5.000000000e-01, v20;
	v22 =	vsub.f32 v27, v38  }
0x7e: {  	v18 =	vadd.f32 $1.666666720e-01, v18;
	v19 =	vadd.f32 v19, v8;
	v59 =	vmul.f32 $5.000000000e-01, v16  }
0x7f: {  	v63 =	vld.idx.msk [tilespmem:v58+s2+$0x0], $0xffff;
	v8 =	vadd.f32 $6.666666860e-01, v22;
	v22 =	vadd.s32 v5, v24;
	v24 =	vadd.f32 $6.666666860e-01, v34  }
0x80: {  	v23 =	vld.idx.msk [tilespmem:v23+s2+$0x0], $0xffff;
	v58 =	vcvt.f32.s32 v55;
	v21 =	vsub.f32 v21, v16;
	v34 =	vsub.f32 v59, v48  }
0x81: {  	v15 =	vadd.s32 v4, v29;
	v27 =	vadd.s32 v1, v29;
	v29 =	vcvt.s32.f32 v29  }
0x82: {  	v37 =	vadd.f32 $1.666666720e-01, v37;
	v21 =	vmul.f32 $5.000000000e-01, v21;
	v34 =	vadd.f32 $6.666666860e-01, v34  }
0x83: {  	v60 =	vld.idx.msk [tilespmem:v44+s2+$0x0], $0xffff;
	v36 =	vadd.f32 $6.666666860e-01, v39;
	v39 =	vadd.s32 v5, v51;
	v9 =	vsub.f32 v9, v29  }
0x84: {  	v26 =	vld.idx.msk [tilespmem:v26+s2+$0x0], $0xffff;
	v17 =	vmul.f32 v37, v63;
	v21 =	vadd.f32 $1.666666720e-01, v21;
	v54 =	vsub.f32 $1.000000000e+00, v34  }
0x85: {  	v47 =	vld.idx.msk [tilespmem:v47+s2+$0x0], $0xffff;
	v29 =	vmul.f32 v9, v9;
	v23 =	vmul.f32 v8, v23;
	v8 =	vsub.f32 $1.000000000e+00, v8  }
0x86: {  	v38 =	vmul.f32 $1.666666720e-01, v45;
	v16 =	vmul.f32 $1.666666720e-01, v16;
	v22 =	vld.idx.msk [tilespmem:v22+s2+$0x0], $0xffff;
	v44 =	vsub.f32 v54, v21  }
0x87: {  	v62 =	vld.idx.msk [tilespmem:v42+s2+$0x0], $0xffff;
	v43 =	vsub.f32 $1.000000000e+00, v36;
	v53 =	vmul.f32 v29, v9;
	v8 =	vsub.f32 v8, v18  }
0x88: {  	v28 =	vld.idx.msk [tilespmem:v28+s2+$0x0], $0xffff;
	v61 =	vsub.f32 $1.000000000e+00, v24;
	v59 =	vcvt.s32.f32 v51;
	v57 =	vsub.f32 v44, v16  }
0x89: {  	v35 =	vld.idx.msk [tilespmem:v35+s2+$0x0], $0xffff;
	v48 =	vadd.s32 v1, v58;
	v34 =	vmul.f32 v34, v60;
	v56 =	vsub.f32 v8, v46  }
0x8a: {  	v25 =	vld.idx.msk [tilespmem:v25+s2+$0x0], $0xffff;
	v19 =	vadd.f32 v19, v14;
	v60 =	vcvt.s32.f32 v58;
	v42 =	vmul.f32 v57, v47  }
0x8b: {  	v32 =	vld.idx.msk [tilespmem:v32+s2+$0x0], $0xffff;
	v26 =	vmul.f32 v56, v26;
	v8 =	vmul.f32 v30, v22;
	v22 =	vsub.f32 v61, v37  }
0x8c: {  	v33 =	vld.idx.msk [tilespmem:v33+s2+$0x0], $0xffff;
	v21 =	vmul.f32 v21, v62;
	v37 =	vsub.f32 v7, v59;
	v34 =	vadd.f32 v42, v34  }
0x8d: {  	v18 =	vmul.f32 v18, v28;
	v62 =	vld.idx.msk [tilespmem:v41+s2+$0x0], $0xffff;
	v12 =	vsub.f32 v12, v60;
	v23 =	vadd.f32 v26, v23  }
0x8e: {  	v16 =	vmul.f32 v16, v35;
	v61 =	vmul.f32 v37, v37;
	v21 =	vadd.f32 v34, v21  }
0x8f: {  	v26 =	vadd.s32 v4, v58;
	v7 =	vmul.f32 v38, v25;
	v25 =	vadd.s32 v0, v58  }
0x90: {  	v63 =	vmul.f32 v61, v37;
	v28 =	vadd.f32 v21, v16;
	v21 =	vsub.f32 v22, v30  }
0x91: {  	v18 =	vadd.f32 v23, v18;
	v16 =	vmul.f32 v46, v32;
	v22 =	vmul.f32 v12, v12  }
0x92: {  	v23 =	vadd.f32 v61, v37;
	v30 =	vld.idx.msk [tilespmem:v13+s2+$0x0], $0xffff;
	v13 =	vmul.f32 v24, v62;
	v21 =	vmul.f32 v21, v33  }
0x93: {  	v31 =	vadd.f32 v18, v16;
	v52 =	vmul.f32 v22, v12;
	v12 =	vadd.f32 v22, v12  }
0x94: {  	v11 =	vld.idx.msk [tilespmem:v11+s2+$0x0], $0xffff;
	v24 =	vmul.f32 $5.000000000e-01, v53;
	v16 =	vadd.f32 v29, v9;
	v18 =	vadd.f32 v21, v13  }
0x95: {  	v56 =	vld.idx.msk [tilespmem:v10+s2+$0x0], $0xffff;
	v54 =	vmul.f32 $5.000000000e-01, v63;
	v21 =	vsub.f32 v23, v63;
	v23 =	vsub.f32 v12, v52  }
0x96: {  	v10 =	vld.idx.msk [tilespmem:v15+s2+$0x0], $0xffff;
	v14 =	vmul.f32 $5.000000000e-01, v52;
	v13 =	vadd.f32 $1.666666720e-01, v20;
	v20 =	vsub.f32 v24, v29  }
0x97: {  	v55 =	vld.idx.msk [tilespmem:v26+s2+$0x0], $0xffff;
	v15 =	vsub.f32 v16, v53;
	v24 =	vsub.f32 v54, v61;
	v12 =	vmul.f32 v36, v30  }
0x98: {  	v59 =	vld.idx.msk [tilespmem:v25+s2+$0x0], $0xffff;
	v30 =	vadd.s32 v5, v58;
	v22 =	vsub.f32 v14, v22;
	v21 =	vmul.f32 $5.000000000e-01, v21  }
0x99: {  	v26 =	vld.idx.msk [tilespmem:v49+s2+$0x0], $0xffff;
	v58 =	vadd.s32 v4, v51;
	v17 =	vadd.f32 v18, v17;
	v18 =	vadd.f32 $6.666666860e-01, v20  }
0x9a: {  	v9 =	vld.idx.msk [tilespmem:v50+s2+$0x0], $0xffff;
	v20 =	vmul.f32 $5.000000000e-01, v15;
	v43 =	vsub.f32 v43, v13;
	v15 =	vadd.f32 $1.666666720e-01, v21  }
0x9b: {  	v16 =	vld.idx.msk [tilespmem:v48+s2+$0x0], $0xffff;
	v23 =	vmul.f32 $5.000000000e-01, v23;
	v57 =	vadd.f32 $6.666666860e-01, v22;
	v22 =	vadd.f32 $6.666666860e-01, v24  }
0x9c: {  	s21 =	sor.u32 $0x14140, s25;
	v60 =	vadd.s32 v1, v51;
	v14 =	vld.idx.msk [tilespmem:v27+s2+$0x0], $0xffff;
	v27 =	vsub.f32 $1.000000000e+00, v18;
	v21 =	vadd.f32 $1.666666720e-01, v20  }
0x9d: {  	v25 =	vmul.f32 $1.666666720e-01, v63;
	[tilespmem:s21+$0xFFFFFFD0] =	vst v28;
	v24 =	vld.idx.msk [tilespmem:v39+s2+$0x0], $0xffff;
	v28 =	vadd.f32 $1.666666720e-01, v23;
	v61 =	vsub.f32 $1.000000000e+00, v57  }
0x9e: {  	[tilespmem:s21+$0xFFFFFFF0] =	vst v31;
	v29 =	vld.idx.msk [tilespmem:v40+s2+$0x0], $0xffff;
	v20 =	vmul.f32 $1.666666720e-01, v52;
	v38 =	vsub.f32 v43, v38;
	v31 =	vsub.f32 $1.000000000e+00, v22  }
0x9f: {  	[tilespmem:s21+$0x30] =	vst v19;
	v23 =	vmul.f32 $1.666666720e-01, v53;
	v62 =	vsub.f32 v27, v21;
	v27 =	vld.idx.msk [tilespmem:v30+s2+$0x0], $0xffff;
	v63 =	vsub.f32 v61, v28  }
0xa0: {  	v30 =	vld.idx.msk [tilespmem:v58+s2+$0x0], $0xffff;
	v19 =	vmul.f32 v57, v59;
	v35 =	vmul.f32 v38, v56;
	v32 =	vsub.f32 v31, v15  }
0xa1: {  	s23 =	simm.s32 $0x0;
	s15 =	sadd.s32 $0x80, s14;
	s14 =	smov.u32 s21;
	v28 =	vmul.f32 v28, v55;
	v31 =	vld.idx.msk [tilespmem:v60+s2+$0x0], $0xffff;
	v33 =	vsub.f32 v62, v23;
	v34 =	vsub.f32 v63, v20  }
.LBB2_3:
0xa2: {  	v36 =	vld [tilespmem:s15+$0xFFFFFFD0];
	s23 =	sadd.s32 $0x8, s23;
	v24 =	vmul.f32 v25, v24;
	v11 =	vmul.f32 v13, v11;
	v8 =	vadd.f32 v17, v8;
	s21 =	sadd.s32 $0x80, s21  }
0xa3: {  	v17 =	vmul.f32 v18, v26;
	v13 =	vld [tilespmem:s15+$0x30];
	p0 =	slt.u32 s23, $0xF8;
	v16 =	vmul.f32 v34, v16;
	v12 =	vadd.f32 v35, v12  }
0xa4: {  	v25 =	vsub.f32 v32, v25;
	v22 =	vmul.f32 v22, v29;
	v14 =	vmul.f32 v33, v14;
	v18 =	vld [tilespmem:s15+$0xFFFFFFC0];
	[tilespmem:s14+$0x20] =	vst v8  }
0xa5: {  	v15 =	vmul.f32 v15, v30;
	v8 =	vld [tilespmem:s15+$0x20];
	v16 =	vadd.f32 v16, v19;
	v19 =	vmul.f32 v20, v27  }
0xa6: {  	v10 =	vmul.f32 v21, v10;
	v14 =	vadd.f32 v14, v17;
	v25 =	vmul.f32 v25, v31;
	v20 =	vld [tilespmem:s15+$0xFFFFFFF0]  }
0xa7: {  	v12 =	vadd.f32 v12, v11;
	v21 =	vmul.f32 v36, v6;
	v17 =	vld [tilespmem:s15+$0xFFFFFFE0];
	v16 =	vadd.f32 v16, v28  }
0xa8: {  	v9 =	vmul.f32 v23, v9;
	v10 =	vadd.f32 v14, v10;
	v22 =	vadd.f32 v25, v22;
	v26 =	vld [tilespmem:s15+$0x10]  }
0xa9: {  	v12 =	vadd.f32 v12, v7;
	v11 =	vmul.f32 v18, v6;
	v18 =	vtrunc.f32 v21;
	v23 =	vld [tilespmem:s15+$0x0]  }
0xaa: {  	v9 =	vadd.f32 v10, v9;
	v25 =	vmul.f32 v8, v6;
	v8 =	vmul.f32 v13, v6  }
0xab: {  	v10 =	vadd.f32 v22, v15;
	v7 =	vtrunc.f32 v11;
	v20 =	vmul.f32 v20, v6;
	[tilespmem:s14+$0x0] =	vst v12  }
0xac: {  	v15 =	vadd.f32 v16, v19;
	v12 =	vmul.f32 v17, v6;
	v13 =	vtrunc.f32 v8;
	[tilespmem:s14+$0x10] =	vst v9  }
0xad: {  	v10 =	vadd.f32 v10, v24;
	v9 =	vtrunc.f32 v20;
	v13 =	vcvt.f32.s32 v13  }
0xae: {  	v16 =	vtrunc.f32 v25;
	v14 =	vmul.f32 v26, v6;
	[tilespmem:s14+$0xFFFFFFE0] =	vst v15  }
0xaf: {  	v17 =	vmul.f32 v23, v6;
	v15 =	vcvt.s32.f32 v13;
	v19 =	vadd.s32 v4, v13;
	[tilespmem:s14+$0xFFFFFFC0] =	vst v10;
	s14 =	smov.u32 s21  }
0xb0: {  	v22 =	vcvt.f32.s32 v9;
	v23 =	vcvt.f32.s32 v16;
	v24 =	vadd.s32 v5, v13  }
0xb1: {  	v16 =	vadd.s32 v1, v13;
	v9 =	vtrunc.f32 v17;
	v15 =	vsub.f32 v8, v15  }
0xb2: {  	v27 =	vadd.s32 v0, v13;
	v26 =	vcvt.f32.s32 v9;
	v9 =	vcvt.s32.f32 v23  }
0xb3: {  	v28 =	vadd.s32 v1, v22;
	v8 =	vadd.s32 v4, v22;
	v29 =	vmul.f32 v15, v15  }
0xb4: {  	v30 =	vcvt.s32.f32 v22;
	v13 =	vadd.s32 v4, v26;
	v25 =	vsub.f32 v25, v9  }
0xb5: {  	v10 =	vadd.s32 v1, v26;
	v31 =	vmul.f32 v29, v15;
	v32 =	vadd.f32 v29, v15  }
0xb6: {  	v33 =	vadd.s32 v1, v23;
	v9 =	vadd.s32 v5, v22;
	v34 =	vmul.f32 v25, v25  }
0xb7: {  	v35 =	vcvt.f32.s32 v18;
	v15 =	vadd.s32 v0, v26;
	v18 =	vsub.f32 v32, v31  }
0xb8: {  	v32 =	vcvt.s32.f32 v26;
	v36 =	vadd.f32 v34, v25;
	v37 =	vmul.f32 $5.000000000e-01, v31  }
0xb9: {  	v22 =	vadd.s32 v0, v22;
	v25 =	vmul.f32 v34, v25;
	v18 =	vmul.f32 $5.000000000e-01, v18  }
0xba: {  	v30 =	vsub.f32 v20, v30;
	v20 =	vtrunc.f32 v14;
	v29 =	vsub.f32 v37, v29  }
0xbb: {  	v37 =	vmul.f32 $5.000000000e-01, v25;
	v36 =	vsub.f32 v36, v25;
	v18 =	vadd.f32 $1.666666720e-01, v18  }
0xbc: {  	v38 =	vcvt.s32.f32 v35;
	v39 =	vmul.f32 v30, v30;
	v29 =	vadd.f32 $6.666666860e-01, v29;
	v40 =	vld.idx.msk [tilespmem:v16+s2+$0x0], $0xffff  }
0xbd: {  	v32 =	vsub.f32 v17, v32;
	v17 =	vmul.f32 $1.666666720e-01, v31;
	v34 =	vsub.f32 v37, v34;
	v27 =	vld.idx.msk [tilespmem:v27+s2+$0x0], $0xffff  }
0xbe: {  	v20 =	vcvt.f32.s32 v20;
	v31 =	vmul.f32 v39, v30;
	v37 =	vsub.f32 $1.000000000e+00, v29  }
0xbf: {  	v42 =	vadd.s32 v0, v23;
	v30 =	vadd.f32 v39, v30;
	v41 =	vmul.f32 v32, v32  }
0xc0: {  	v43 =	vadd.s32 v4, v35;
	v16 =	vadd.s32 v4, v20;
	v37 =	vsub.f32 v37, v18;
	v19 =	vld.idx.msk [tilespmem:v19+s2+$0x0], $0xffff  }
0xc1: {  	v44 =	vadd.s32 v0, v35;
	v45 =	vmul.f32 $1.666666720e-01, v31;
	v46 =	vmul.f32 v41, v32;
	v22 =	vld.idx.msk [tilespmem:v22+s2+$0x0], $0xffff  }
0xc2: {  	v47 =	vadd.s32 v1, v35;
	v32 =	vadd.f32 v41, v32;
	v37 =	vsub.f32 v37, v17;
	v24 =	vld.idx.msk [tilespmem:v24+s2+$0x0], $0xffff  }
0xc3: {  	v21 =	vsub.f32 v21, v38;
	v38 =	vmul.f32 $5.000000000e-01, v46;
	v27 =	vmul.f32 v29, v27  }
0xc4: {  	v48 =	vadd.s32 v4, v23;
	v29 =	vmul.f32 $5.000000000e-01, v31;
	v37 =	vmul.f32 v37, v40;
	v42 =	vld.idx.msk [tilespmem:v42+s2+$0x0], $0xffff  }
0xc5: {  	v36 =	vmul.f32 $5.000000000e-01, v36;
	v38 =	vsub.f32 v38, v41;
	v40 =	vld.idx.msk [tilespmem:v43+s2+$0x0], $0xffff;
	v43 =	vmul.f32 v21, v21  }
0xc6: {  	v30 =	vsub.f32 v30, v31;
	v27 =	vadd.f32 v37, v27;
	v19 =	vmul.f32 v18, v19;
	v41 =	vld.idx.msk [tilespmem:v44+s2+$0x0], $0xffff  }
0xc7: {  	v29 =	vsub.f32 v29, v39;
	v18 =	vadd.s32 v1, v20;
	v31 =	vld.idx.msk [tilespmem:v47+s2+$0x0], $0xffff;
	v37 =	vadd.f32 v43, v21  }
0xc8: {  	v30 =	vmul.f32 $5.000000000e-01, v30;
	v21 =	vmul.f32 v43, v21;
	v27 =	vadd.f32 v27, v19  }
0xc9: {  	v23 =	vadd.s32 v5, v23;
	v34 =	vadd.f32 $6.666666860e-01, v34;
	v19 =	vadd.f32 $6.666666860e-01, v29;
	v29 =	vld.idx.msk [tilespmem:v48+s2+$0x0], $0xffff  }
0xca: {  	v38 =	vadd.f32 $6.666666860e-01, v38;
	v39 =	vmul.f32 $5.000000000e-01, v21;
	v37 =	vsub.f32 v37, v21  }
0xcb: {  	v30 =	vadd.f32 $1.666666720e-01, v30;
	v44 =	vsub.f32 $1.000000000e+00, v34;
	v22 =	vmul.f32 v19, v22;
	v33 =	vld.idx.msk [tilespmem:v33+s2+$0x0], $0xffff  }
0xcc: {  	v19 =	vsub.f32 $1.000000000e+00, v19;
	v39 =	vsub.f32 v39, v43;
	v37 =	vmul.f32 $5.000000000e-01, v37  }
0xcd: {  	v26 =	vadd.s32 v5, v26;
	v25 =	vmul.f32 $1.666666720e-01, v25;
	v21 =	vmul.f32 $1.666666720e-01, v21  }
0xce: {  	v35 =	vadd.s32 v5, v35;
	v36 =	vadd.f32 $1.666666720e-01, v36;
	v39 =	vadd.f32 $6.666666860e-01, v39;
	v23 =	vld.idx.msk [tilespmem:v23+s2+$0x0], $0xffff  }
0xcf: {  	v47 =	vsub.f32 $1.000000000e+00, v38;
	v48 =	vadd.s32 v0, v20;
	v43 =	vsub.f32 v19, v30;
	v28 =	vld.idx.msk [tilespmem:v28+s2+$0x0], $0xffff  }
0xd0: {  	v50 =	vtrunc.f32 v12;
	v37 =	vadd.f32 $1.666666720e-01, v37;
	v49 =	vsub.f32 $1.000000000e+00, v39  }
0xd1: {  	v19 =	vmul.f32 $1.666666720e-01, v46;
	v39 =	vmul.f32 v39, v41;
	v41 =	vadd.s32 v5, v20  }
0xd2: {  	v49 =	vsub.f32 v49, v37;
	v37 =	vmul.f32 v37, v40;
	v40 =	vsub.f32 v43, v45;
	v26 =	vld.idx.msk [tilespmem:v26+s2+$0x0], $0xffff  }
0xd3: {  	v44 =	vsub.f32 v44, v36;
	v29 =	vmul.f32 v36, v29;
	v43 =	vcvt.f32.s32 v7;
	v35 =	vld.idx.msk [tilespmem:v35+s2+$0x0], $0xffff  }
0xd4: {  	v36 =	vcvt.f32.s32 v50;
	v7 =	vsub.f32 v49, v21;
	v49 =	vld.idx.msk [tilespmem:v8+s2+$0x0], $0xffff;
	v8 =	vmul.f32 v25, v23  }
0xd5: {  	v50 =	vadd.s32 v5, v43;
	v23 =	vcvt.s32.f32 v43;
	v28 =	vmul.f32 v40, v28;
	v51 =	vld.idx.msk [tilespmem:v9+s2+$0x0], $0xffff  }
0xd6: {  	v40 =	vadd.s32 v0, v43;
	v7 =	vmul.f32 v7, v31;
	v31 =	vcvt.s32.f32 v36;
	v9 =	vld.idx.msk [tilespmem:v41+s2+$0x0], $0xffff  }
0xd7: {  	v52 =	vadd.s32 v4, v36;
	v41 =	vadd.s32 v1, v36;
	v22 =	vadd.f32 v28, v22  }
0xd8: {  	v11 =	vsub.f32 v11, v23;
	v23 =	vadd.f32 v7, v39;
	v7 =	vmul.f32 v19, v26  }
0xd9: {  	v28 =	vsub.f32 v32, v46;
	v26 =	vadd.s32 v0, v36;
	v21 =	vmul.f32 v21, v35  }
0xda: {  	v20 =	vcvt.s32.f32 v20;
	v32 =	vmul.f32 v11, v11;
	v23 =	vadd.f32 v23, v37  }
0xdb: {  	v12 =	vsub.f32 v12, v31;
	v28 =	vmul.f32 $5.000000000e-01, v28;
	v30 =	vmul.f32 v30, v49  }
0xdc: {  	v14 =	vsub.f32 v14, v20;
	v21 =	vadd.f32 v23, v21;
	v23 =	vmul.f32 v45, v51  }
0xdd: {  	v31 =	vmul.f32 v32, v11;
	v20 =	vadd.f32 v22, v30;
	v22 =	vsub.f32 v44, v25;
	v15 =	vld.idx.msk [tilespmem:v15+s2+$0x0], $0xffff  }
0xde: {  	v25 =	vadd.f32 v32, v11;
	v11 =	vmul.f32 v17, v24;
	[tilespmem:s21+$0xFFFFFFD0] =	vst v21;
	v21 =	vmul.f32 v12, v12  }
0xdf: {  	v17 =	vadd.f32 v20, v23;
	v20 =	vmul.f32 v14, v14;
	v22 =	vmul.f32 v22, v33  }
0xe0: {  	v24 =	vmul.f32 v34, v42;
	v23 =	vmul.f32 v21, v12;
	v12 =	vadd.f32 v21, v12  }
0xe1: {  	v30 =	vmul.f32 v20, v14;
	v14 =	vadd.f32 v20, v14;
	[tilespmem:s21+$0xFFFFFFF0] =	vst v17;
	v17 =	vadd.f32 v27, v11  }
0xe2: {  	v22 =	vadd.f32 v22, v24;
	v27 =	vmul.f32 $5.000000000e-01, v31;
	v33 =	vmul.f32 $5.000000000e-01, v23;
	v11 =	vld.idx.msk [tilespmem:v13+s2+$0x0], $0xffff  }
0xe3: {  	v24 =	vsub.f32 v25, v31;
	v35 =	vmul.f32 $5.000000000e-01, v30;
	v25 =	vsub.f32 v12, v23;
	v34 =	vld.idx.msk [tilespmem:v52+s2+$0x0], $0xffff;
	[tilespmem:s21+$0x30] =	vst v17  }
0xe4: {  	v13 =	vadd.f32 $1.666666720e-01, v28;
	v12 =	vmul.f32 v38, v15;
	v21 =	vsub.f32 v33, v21;
	v37 =	vld.idx.msk [tilespmem:v10+s2+$0x0], $0xffff  }
0xe5: {  	v28 =	vadd.s32 v5, v36;
	v15 =	vsub.f32 v35, v20;
	v20 =	vsub.f32 v14, v30;
	v10 =	vld.idx.msk [tilespmem:v16+s2+$0x0], $0xffff  }
0xe6: {  	v24 =	vmul.f32 $5.000000000e-01, v24;
	v17 =	vadd.f32 v22, v29;
	v33 =	vmul.f32 $5.000000000e-01, v25;
	v14 =	vld.idx.msk [tilespmem:v18+s2+$0x0], $0xffff  }
0xe7: {  	v22 =	vsub.f32 v27, v32;
	v25 =	vmul.f32 $5.000000000e-01, v20;
	v18 =	vadd.f32 $6.666666860e-01, v15;
	v16 =	vld.idx.msk [tilespmem:v41+s2+$0x0], $0xffff  }
0xe8: {  	v32 =	vadd.s32 v4, v43;
	v15 =	vadd.f32 $1.666666720e-01, v24;
	v36 =	vadd.f32 $6.666666860e-01, v21;
	v35 =	vld.idx.msk [tilespmem:v26+s2+$0x0], $0xffff  }
0xe9: {  	v38 =	vadd.s32 v1, v43;
	v22 =	vadd.f32 $6.666666860e-01, v22;
	v39 =	vsub.f32 $1.000000000e+00, v18;
	v26 =	vld.idx.msk [tilespmem:v48+s2+$0x0], $0xffff  }
0xea: {  	v20 =	vmul.f32 $1.666666720e-01, v23;
	v41 =	vsub.f32 v47, v13;
	v21 =	vadd.f32 $1.666666720e-01, v25;
	v24 =	vld.idx.msk [tilespmem:v50+s2+$0x0], $0xffff  }
.Ltmp0:
0xeb: {  	v25 =	vmul.f32 $1.666666720e-01, v31;
	v31 =	vadd.f32 $1.666666720e-01, v33;
	v33 =	vsub.f32 $1.000000000e+00, v36;
	v29 =	vld.idx.msk [tilespmem:v40+s2+$0x0], $0xffff;
	(pc) =	sbr.rel @p0 .LBB2_3-.Ltmp0, $4  }
0xec: {  	v23 =	vmul.f32 $1.666666720e-01, v30;
	v39 =	vsub.f32 v39, v21;
	v40 =	vsub.f32 $1.000000000e+00, v22;
	v27 =	vld.idx.msk [tilespmem:v28+s2+$0x0], $0xffff  }
0xed: {  	v41 =	vsub.f32 v41, v19;
	v42 =	vsub.f32 v33, v31;
	v28 =	vmul.f32 v31, v34;
	v30 =	vld.idx.msk [tilespmem:v32+s2+$0x0], $0xffff  }
0xee: {  	v33 =	vsub.f32 v39, v23;
	v32 =	vsub.f32 v40, v15;
	v19 =	vmul.f32 v36, v35;
	v31 =	vld.idx.msk [tilespmem:v38+s2+$0x0], $0xffff  }
0xef: {  	s15 =	sadd.s32 $0x80, s15;
	v34 =	vsub.f32 v42, v20;
	v35 =	vmul.f32 v41, v37  }
0xf0: {  	v11 =	vmul.f32 v13, v11;
	v8 =	vadd.f32 v17, v8  }
0xf1: {  	v55 =	vmul.f32 v18, v26;
	v56 =	vsub.f32 v32, v25;
	v14 =	vmul.f32 v33, v14  }
0xf2: {  	v57 =	vmul.f32 v22, v29;
	v16 =	vmul.f32 v34, v16;
	v12 =	vadd.f32 v35, v12  }
0xf3: {  	v10 =	vmul.f32 v21, v10;
	v13 =	vadd.f32 v14, v55;
	v17 =	vmul.f32 v56, v31  }
0xf4: {  	v9 =	vmul.f32 v23, v9;
	v59 =	vadd.f32 v16, v19;
	v11 =	vadd.f32 v12, v11  }
0xf5: {  	v58 =	vmul.f32 v15, v30;
	v10 =	vadd.f32 v13, v10;
	v60 =	vadd.f32 v17, v57  }
0xf6: {  	s15 =	sshll.u32 s4, $0x12;
	s4 =	sadd.s32 $0x1, s4;
	v61 =	vmul.f32 v20, v27;
	v15 =	vadd.f32 v59, v28;
	v7 =	vadd.f32 v11, v7  }
0xf7: {  	v62 =	vmul.f32 v25, v24;
	p0 =	sne.s32 s4, $0x20;
	[tilespmem:s14+$0x20] =	vst v8;
	v8 =	vadd.f32 v10, v9;
	v63 =	vadd.f32 v60, v58  }
.Ltmp1:
0xf8: {  	[tilespmem:s14+$0x0] =	vst v7;
	v7 =	vadd.f32 v15, v61;
	(pc) =	sbr.rel @p0 .LBB2_2-.Ltmp1, $4  }
0xf9: {  	s15 =	sor.u32 s6, s15;
	[tilespmem:s14+$0x10] =	vst v8;
	v8 =	vadd.f32 v63, v62  }
0xfa: {  	s21 =	sshll.u32 s13, $0xC;
	s11 =	sadd.s32 $0x1, s11;
	s15 =	sshrl.u32 s15, $0x3;
	[tilespmem:s14+$0xFFFFFFE0] =	vst v7  }
0xfb: {  	s25 =	sor.u32 $0x14100, s21;
	s23 =	sadd.s32 s5, s15;
	[tilespmem:s14+$0xFFFFFFC0] =	vst v8;
	s14 =	sadd.s32 $0x5, s13  }
0xfc: {  	[hbm4b:s23+s26] =	stream.strided.scatter [tilespmem:s25], [sflag:s14], $0x1000, s28, s26, $0x38;
	[tilespmem:$0x18110] =	vst v63  }
0xfd: {  	_ =	swait.ge [sflag:s0], $0x1000  }
0xfe: {  	[sflag:s0] =	ssyncset.done $0x0  }
0xff: {  	[sflag:s0] =	ssyncadd.s32 $0xFFFFF000  }
0x100: {  	_ =	swait.ge [sflag:s10], $0x1000  }
0x101: {  	[sflag:s10] =	ssyncset.done $0x0  }
0x102: {  	[sflag:s10] =	ssyncadd.s32 $0xFFFFF000  }
0x103: {  	_ =	swait.ge [sflag:s3], $0x1000  }
0x104: {  	[sflag:s3] =	ssyncset.done $0x0  }
0x105: {  	[sflag:s3] =	ssyncadd.s32 $0xFFFFF000  }
0x106: {  	_ =	swait.ge [sflag:s19], $0x1000  }
0x107: {  	[sflag:s19] =	ssyncset.done $0x0  }
0x108: {  	s11 =	simm.s32 $0x0;
	[sflag:s19] =	ssyncadd.s32 $0xFFFFF000  }
0x109: {  	[tilespmem:s19], [sflag:$0x9] =	stream.linear.gather [hbm4b:s12+s11], $0x1000, $0x38;
	[tilespmem:$0x18110] =	vst v63  }
0x10a: {  	s4 =	sadd.s32 $0x200, s12;
	s13 =	simm.s32 $0x1018  }
0x10b: {  	[tilespmem:s13], [sflag:$0x9] =	stream.linear.gather [hbm4b:s4+s11], $0x1000, $0x38;
	[tilespmem:$0x18110] =	vst v63  }
0x10c: {  	s23 =	sadd.s32 $0x400, s12;
	s25 =	simm.s32 $0x2028  }
0x10d: {  	[tilespmem:s25], [sflag:$0x9] =	stream.linear.gather [hbm4b:s23+s11], $0x1000, $0x38;
	[tilespmem:$0x18110] =	vst v63  }
0x10e: {  	s14 =	simm.s32 $0x3038;
	s13 =	sadd.s32 $0x600, s12  }
0x10f: {  	[tilespmem:s14], [sflag:$0x9] =	stream.linear.gather [hbm4b:s13+s11], $0x1000, $0x38;
	[tilespmem:$0x18110] =	vst v63  }
0x110: {  	s15 =	sadd.s32 $0x800, s12;
	s21 =	simm.s32 $0x4048  }
0x111: {  	[tilespmem:s21], [sflag:$0x9] =	stream.linear.gather [hbm4b:s15+s11], $0x1000, $0x38;
	[tilespmem:$0x18110] =	vst v63  }
0x112: {  	s23 =	sadd.s32 $0xA00, s12;
	s25 =	simm.s32 $0x5058  }
0x113: {  	[tilespmem:s25], [sflag:$0x9] =	stream.linear.gather [hbm4b:s23+s11], $0x1000, $0x38;
	[tilespmem:$0x18110] =	vst v63  }
0x114: {  	s13 =	sadd.s32 $0xC00, s12;
	s14 =	simm.s32 $0x6068  }
0x115: {  	[tilespmem:s14], [sflag:$0x9] =	stream.linear.gather [hbm4b:s13+s11], $0x1000, $0x38;
	[tilespmem:$0x18110] =	vst v63  }
0x116: {  	s15 =	sadd.s32 $0xE00, s12;
	s21 =	simm.s32 $0x7078  }
0x117: {  	[tilespmem:s21], [sflag:$0x9] =	stream.linear.gather [hbm4b:s15+s11], $0x1000, $0x38;
	[tilespmem:$0x18110] =	vst v63  }
0x118: {  	s23 =	sadd.s32 $0x1000, s12;
	s25 =	simm.s32 $0x8088  }
0x119: {  	[tilespmem:s25], [sflag:$0x9] =	stream.linear.gather [hbm4b:s23+s11], $0x1000, $0x38;
	[tilespmem:$0x18110] =	vst v63  }
0x11a: {  	s13 =	sadd.s32 $0x1200, s12;
	s14 =	simm.s32 $0x9098  }
0x11b: {  	[tilespmem:s14], [sflag:$0x9] =	stream.linear.gather [hbm4b:s13+s11], $0x1000, $0x38;
	[tilespmem:$0x18110] =	vst v63  }
0x11c: {  	s15 =	sadd.s32 $0x1400, s12;
	s21 =	simm.s32 $0xA0A8  }
0x11d: {  	[tilespmem:s21], [sflag:$0x9] =	stream.linear.gather [hbm4b:s15+s11], $0x1000, $0x38;
	[tilespmem:$0x18110] =	vst v63  }
0x11e: {  	s23 =	sadd.s32 $0x1600, s12;
	s25 =	simm.s32 $0xB0B8  }
0x11f: {  	[tilespmem:s25], [sflag:$0x9] =	stream.linear.gather [hbm4b:s23+s11], $0x1000, $0x38;
	[tilespmem:$0x18110] =	vst v63  }
0x120: {  	s13 =	sadd.s32 $0x1800, s12;
	s14 =	simm.s32 $0xC0C8  }
0x121: {  	[tilespmem:s14], [sflag:$0x9] =	stream.linear.gather [hbm4b:s13+s11], $0x1000, $0x38;
	[tilespmem:$0x18110] =	vst v63  }
0x122: {  	s15 =	sadd.s32 $0x1A00, s12;
	s21 =	simm.s32 $0xD0D8  }
0x123: {  	[tilespmem:s21], [sflag:$0x9] =	stream.linear.gather [hbm4b:s15+s11], $0x1000, $0x38;
	[tilespmem:$0x18110] =	vst v63  }
0x124: {  	s23 =	sadd.s32 $0x1C00, s12;
	s25 =	simm.s32 $0xE0E8  }
0x125: {  	[tilespmem:s25], [sflag:$0x9] =	stream.linear.gather [hbm4b:s23+s11], $0x1000, $0x38;
	[tilespmem:$0x18110] =	vst v63  }
0x126: {  	s14 =	sadd.s32 $0x1E00, s12;
	s15 =	simm.s32 $0xF0F8  }
0x127: {  	[tilespmem:s15], [sflag:$0x9] =	stream.linear.gather [hbm4b:s14+s11], $0x1000, $0x38;
	[tilespmem:$0x18110] =	vst v63  }
0x128: {  	_ =	swait.ge [sflag:s18], $0x10000  }
0x129: {  	[sflag:s18] =	ssyncset.done $0x0  }
0x12a: {  	[sflag:s18] =	ssyncadd.s32 $0xFFFF0000  }
0x12b: {  	v7 =	vld.idx.msk [tilespmem:v0+s11+$0x0], $0xffff;
	_ =	sdelay $0x4  }
0x12c: {  	[tilespmem:v1+s11+$0x0] =	vst.idx.msk $0xffff, v7  }
0x12d: {  	v7 =	vld.idx.msk [tilespmem:v2+s11+$0x0], $0xffff;
	_ =	sdelay $0x4  }
0x12e: {  	s21 =	rddreg [dreg:$0x7];
	[tilespmem:v3+s11+$0x0] =	vst.idx.msk $0xffff, v7  }
0x12f: {  	[tilespmem:s29], [sflag:$0x1] =	stream.strided.gather [hbm4b:s21+s26], $0x1000, s28, s26, $0x38;
	[tilespmem:$0x18110] =	vst v63  }
0x130: {  	s23 =	rddreg [dreg:$0x8]  }
0x131: {  	[tilespmem:s30], [sflag:$0x2] =	stream.strided.gather [hbm4b:s23+s26], $0x1000, s28, s26, $0x38;
	[tilespmem:$0x18110] =	vst v63  }
0x132: {  	s4 =	simm.s32 $0x0;
	s25 =	rddreg [dreg:$0x9]  }
0x133: {  	[tilespmem:s31], [sflag:$0x3] =	stream.strided.gather [hbm4b:s25+s26], $0x1000, s28, s26, $0x38;
	[tilespmem:$0x18110] =	vst v63  }
.LBB2_6:
0x134: {  	p0 =	sgt.u32 s4, $0x1C  }
0x135: {  	s13 =	sadd.s32 @!p0 $0x3, s4  }
0x136: {  	s23 =	simm.s32 @!p0 $0x10;
	s14 =	sshll.u32 @!p0 s13, $0x12  }
0x137: {  	s25 =	simm.s32 @!p0 $0x400;
	s15 =	sand.u32 @!p0 $0x3, s13;
	s14 =	sor.u32 @!p0 s9, s14  }
0x138: {  	s13 =	sand.u32 $0x3, s4;
	s21 =	sshll.u32 @!p0 s15, $0xC;
	s14 =	sshrl.u32 @!p0 s14, $0x3  }
0x139: {  	s15 =	sadd.s32 @!p0 $0x1, s15;
	s21 =	sor.u32 @!p0 $0x10100, s21;
	s14 =	sadd.s32 @!p0 s1, s14  }
0x13a: {  	[tilespmem:s21], [sflag:s15] =	stream.strided.gather @!p0 [hbm4b:s14+s23], $0x1000, s25, s23, $0x38;
	[tilespmem:$0x18110] =	vst v63  }
0x13b: {  	s21 =	sadd.s32 $0x1, s13  }
0x13c: {  	_ =	swait.ge [sflag:s21], $0x1000  }
0x13d: {  	p0 =	slt.u32 s4, $0x4;
	[sflag:s21] =	ssyncset.done $0x0  }
0x13e: {  	[sflag:s21] =	ssyncadd.s32 $0xFFFFF000;
	s21 =	sadd.s32 @!p0 $0x5, s13  }
0x13f: {  	s23 =	sshll.u32 s11, $0xC;
	_ =	swait.ge @!p0 [sflag:s21], $0x1000  }
0x140: {  	s14 =	sand.u32 $0x3000, s23;
	[sflag:s21] =	ssyncset.done @!p0 $0x0  }
0x141: {  	s25 =	sor.u32 $0x10140, s14;
	[sflag:s21] =	ssyncadd.s32 @!p0 $0xFFFFF000  }
0x142: {  	v7 =	vld [tilespmem:s25+$0xFFFFFFD0]  }
0x143: {  	v8 =	vld [tilespmem:s25+$0x30]  }
0x144: {  	v9 =	vld [tilespmem:s25+$0xFFFFFFC0]  }
0x145: {  	v10 =	vld [tilespmem:s25+$0x20]  }
0x146: {  	v11 =	vld [tilespmem:s25+$0xFFFFFFF0]  }
0x147: {  	v12 =	vld [tilespmem:s25+$0xFFFFFFE0]  }
0x148: {  	v14 =	vld [tilespmem:s25+$0x0];
	_ =	sdelay $0x1  }
0x149: {  	v16 =	vmul.f32 v7, v6  }
0x14a: {  	v13 =	vld [tilespmem:s25+$0x10];
	v7 =	vmul.f32 v9, v6;
	v10 =	vmul.f32 v10, v6  }
0x14b: {  	v8 =	vmul.f32 v8, v6;
	v18 =	vmul.f32 v11, v6  }
0x14c: {  	v12 =	vmul.f32 v12, v6;
	v20 =	vmul.f32 v14, v6  }
0x14d: {  	v15 =	vtrunc.f32 v16;
	v17 =	vtrunc.f32 v7  }
0x14e: {  	v9 =	vtrunc.f32 v8;
	v11 =	vtrunc.f32 v18  }
0x14f: {  	v19 =	vcvt.f32.s32 v9;
	v9 =	vmul.f32 v13, v6  }
0x150: {  	v13 =	vtrunc.f32 v10;
	v23 =	vcvt.f32.s32 v11  }
0x151: {  	v11 =	vtrunc.f32 v20;
	v35 =	vcvt.f32.s32 v15  }
0x152: {  	v51 =	vcvt.f32.s32 v17;
	v24 =	vcvt.f32.s32 v13  }
0x153: {  	v25 =	vcvt.f32.s32 v11;
	v21 =	vcvt.s32.f32 v19  }
0x154: {  	v22 =	vadd.s32 v4, v19;
	v14 =	vadd.s32 v5, v19;
	v26 =	vadd.s32 v1, v23  }
0x155: {  	v28 =	vadd.s32 v4, v23;
	v29 =	vcvt.s32.f32 v23;
	v32 =	vadd.s32 v5, v23  }
0x156: {  	v23 =	vadd.s32 v0, v23;
	v39 =	vcvt.s32.f32 v35;
	v42 =	vadd.s32 v4, v35  }
0x157: {  	v44 =	vadd.s32 v0, v35;
	v47 =	vadd.s32 v1, v35;
	v35 =	vadd.s32 v5, v35  }
0x158: {  	v13 =	vcvt.s32.f32 v24;
	v11 =	vadd.s32 v4, v25;
	v8 =	vsub.f32 v8, v21  }
0x159: {  	v33 =	vadd.s32 v1, v24;
	v15 =	vcvt.s32.f32 v25;
	v41 =	vadd.s32 v0, v24  }
0x15a: {  	v58 =	vadd.s32 v4, v24;
	v21 =	vadd.s32 v1, v19;
	v27 =	vmul.f32 v8, v8  }
0x15b: {  	v19 =	vadd.s32 v0, v19;
	v18 =	vsub.f32 v18, v29;
	v29 =	vtrunc.f32 v9  }
0x15c: {  	v16 =	vsub.f32 v16, v39;
	v30 =	vsub.f32 v10, v13;
	v31 =	vmul.f32 v27, v8  }
0x15d: {  	v10 =	vadd.s32 v1, v25;
	v13 =	vadd.s32 v0, v25;
	v20 =	vsub.f32 v20, v15  }
0x15e: {  	v29 =	vcvt.f32.s32 v29;
	v8 =	vadd.f32 v27, v8;
	v36 =	vmul.f32 $5.000000000e-01, v31  }
0x15f: {  	v25 =	vadd.s32 v5, v25;
	v38 =	vmul.f32 v18, v18;
	v48 =	vmul.f32 v16, v16  }
0x160: {  	v34 =	vmul.f32 v30, v30;
	v8 =	vsub.f32 v8, v31;
	v27 =	vsub.f32 v36, v27  }
0x161: {  	v40 =	vmul.f32 v20, v20;
	v49 =	vadd.s32 v0, v29;
	v50 =	vadd.s32 v5, v29  }
0x162: {  	v56 =	vmul.f32 v38, v18;
	v8 =	vmul.f32 $5.000000000e-01, v8;
	v27 =	vadd.f32 $6.666666860e-01, v27  }
0x163: {  	v14 =	vld.idx.msk [tilespmem:v14+s2+$0x0], $0xffff;
	v18 =	vadd.f32 v38, v18;
	v37 =	vadd.f32 v34, v30;
	v30 =	vmul.f32 v34, v30  }
0x164: {  	v19 =	vld.idx.msk [tilespmem:v19+s2+$0x0], $0xffff;
	v45 =	vmul.f32 v40, v20;
	v8 =	vadd.f32 $1.666666720e-01, v8;
	v15 =	vsub.f32 $1.000000000e+00, v27  }
0x165: {  	v21 =	vld.idx.msk [tilespmem:v21+s2+$0x0], $0xffff;
	v20 =	vadd.f32 v40, v20;
	v31 =	vmul.f32 $1.666666720e-01, v31;
	v46 =	vmul.f32 $1.666666720e-01, v56  }
0x166: {  	v22 =	vld.idx.msk [tilespmem:v22+s2+$0x0], $0xffff;
	v18 =	vsub.f32 v18, v56;
	v55 =	vmul.f32 $5.000000000e-01, v30;
	v43 =	vsub.f32 v15, v8  }
0x167: {  	v37 =	vsub.f32 v37, v30;
	v57 =	vmul.f32 $5.000000000e-01, v45;
	v30 =	vmul.f32 $1.666666720e-01, v30  }
0x168: {  	v18 =	vmul.f32 $5.000000000e-01, v18;
	v14 =	vmul.f32 v31, v14;
	v43 =	vsub.f32 v43, v31  }
0x169: {  	v34 =	vsub.f32 v55, v34;
	v37 =	vmul.f32 $5.000000000e-01, v37;
	v55 =	vtrunc.f32 v12  }
0x16a: {  	v20 =	vsub.f32 v20, v45;
	v19 =	vmul.f32 v27, v19;
	v21 =	vmul.f32 v43, v21  }
0x16b: {  	v39 =	vsub.f32 v57, v40;
	v27 =	vmul.f32 $5.000000000e-01, v56;
	v8 =	vmul.f32 v8, v22  }
0x16c: {  	v19 =	vadd.f32 v21, v19;
	v21 =	vadd.f32 v48, v16;
	v16 =	vmul.f32 v48, v16  }
0x16d: {  	v40 =	vadd.s32 v0, v51;
	v20 =	vmul.f32 $5.000000000e-01, v20;
	v22 =	vsub.f32 v27, v38  }
0x16e: {  	v18 =	vadd.f32 $1.666666720e-01, v18;
	v19 =	vadd.f32 v19, v8;
	v59 =	vmul.f32 $5.000000000e-01, v16  }
0x16f: {  	v63 =	vld.idx.msk [tilespmem:v58+s2+$0x0], $0xffff;
	v8 =	vadd.f32 $6.666666860e-01, v22;
	v22 =	vadd.s32 v5, v24;
	v24 =	vadd.f32 $6.666666860e-01, v34  }
0x170: {  	v23 =	vld.idx.msk [tilespmem:v23+s2+$0x0], $0xffff;
	v58 =	vcvt.f32.s32 v55;
	v21 =	vsub.f32 v21, v16;
	v34 =	vsub.f32 v59, v48  }
0x171: {  	v15 =	vadd.s32 v4, v29;
	v27 =	vadd.s32 v1, v29;
	v29 =	vcvt.s32.f32 v29  }
0x172: {  	v37 =	vadd.f32 $1.666666720e-01, v37;
	v21 =	vmul.f32 $5.000000000e-01, v21;
	v34 =	vadd.f32 $6.666666860e-01, v34  }
0x173: {  	v60 =	vld.idx.msk [tilespmem:v44+s2+$0x0], $0xffff;
	v36 =	vadd.f32 $6.666666860e-01, v39;
	v39 =	vadd.s32 v5, v51;
	v9 =	vsub.f32 v9, v29  }
0x174: {  	v26 =	vld.idx.msk [tilespmem:v26+s2+$0x0], $0xffff;
	v17 =	vmul.f32 v37, v63;
	v21 =	vadd.f32 $1.666666720e-01, v21;
	v54 =	vsub.f32 $1.000000000e+00, v34  }
0x175: {  	v47 =	vld.idx.msk [tilespmem:v47+s2+$0x0], $0xffff;
	v29 =	vmul.f32 v9, v9;
	v23 =	vmul.f32 v8, v23;
	v8 =	vsub.f32 $1.000000000e+00, v8  }
0x176: {  	v38 =	vmul.f32 $1.666666720e-01, v45;
	v16 =	vmul.f32 $1.666666720e-01, v16;
	v22 =	vld.idx.msk [tilespmem:v22+s2+$0x0], $0xffff;
	v44 =	vsub.f32 v54, v21  }
0x177: {  	v62 =	vld.idx.msk [tilespmem:v42+s2+$0x0], $0xffff;
	v43 =	vsub.f32 $1.000000000e+00, v36;
	v53 =	vmul.f32 v29, v9;
	v8 =	vsub.f32 v8, v18  }
0x178: {  	v28 =	vld.idx.msk [tilespmem:v28+s2+$0x0], $0xffff;
	v61 =	vsub.f32 $1.000000000e+00, v24;
	v59 =	vcvt.s32.f32 v51;
	v57 =	vsub.f32 v44, v16  }
0x179: {  	v35 =	vld.idx.msk [tilespmem:v35+s2+$0x0], $0xffff;
	v48 =	vadd.s32 v1, v58;
	v34 =	vmul.f32 v34, v60;
	v56 =	vsub.f32 v8, v46  }
0x17a: {  	v25 =	vld.idx.msk [tilespmem:v25+s2+$0x0], $0xffff;
	v19 =	vadd.f32 v19, v14;
	v60 =	vcvt.s32.f32 v58;
	v42 =	vmul.f32 v57, v47  }
0x17b: {  	v32 =	vld.idx.msk [tilespmem:v32+s2+$0x0], $0xffff;
	v26 =	vmul.f32 v56, v26;
	v8 =	vmul.f32 v30, v22;
	v22 =	vsub.f32 v61, v37  }
0x17c: {  	v33 =	vld.idx.msk [tilespmem:v33+s2+$0x0], $0xffff;
	v21 =	vmul.f32 v21, v62;
	v37 =	vsub.f32 v7, v59;
	v34 =	vadd.f32 v42, v34  }
0x17d: {  	v18 =	vmul.f32 v18, v28;
	v62 =	vld.idx.msk [tilespmem:v41+s2+$0x0], $0xffff;
	v12 =	vsub.f32 v12, v60;
	v23 =	vadd.f32 v26, v23  }
0x17e: {  	v16 =	vmul.f32 v16, v35;
	v61 =	vmul.f32 v37, v37;
	v21 =	vadd.f32 v34, v21  }
0x17f: {  	v26 =	vadd.s32 v4, v58;
	v7 =	vmul.f32 v38, v25;
	v25 =	vadd.s32 v0, v58  }
0x180: {  	v63 =	vmul.f32 v61, v37;
	v28 =	vadd.f32 v21, v16;
	v21 =	vsub.f32 v22, v30  }
0x181: {  	v18 =	vadd.f32 v23, v18;
	v16 =	vmul.f32 v46, v32;
	v22 =	vmul.f32 v12, v12  }
0x182: {  	v23 =	vadd.f32 v61, v37;
	v30 =	vld.idx.msk [tilespmem:v13+s2+$0x0], $0xffff;
	v13 =	vmul.f32 v24, v62;
	v21 =	vmul.f32 v21, v33  }
0x183: {  	v31 =	vadd.f32 v18, v16;
	v52 =	vmul.f32 v22, v12;
	v12 =	vadd.f32 v22, v12  }
0x184: {  	v11 =	vld.idx.msk [tilespmem:v11+s2+$0x0], $0xffff;
	v24 =	vmul.f32 $5.000000000e-01, v53;
	v16 =	vadd.f32 v29, v9;
	v18 =	vadd.f32 v21, v13  }
0x185: {  	v56 =	vld.idx.msk [tilespmem:v10+s2+$0x0], $0xffff;
	v54 =	vmul.f32 $5.000000000e-01, v63;
	v21 =	vsub.f32 v23, v63;
	v23 =	vsub.f32 v12, v52  }
0x186: {  	v10 =	vld.idx.msk [tilespmem:v15+s2+$0x0], $0xffff;
	v14 =	vmul.f32 $5.000000000e-01, v52;
	v13 =	vadd.f32 $1.666666720e-01, v20;
	v20 =	vsub.f32 v24, v29  }
0x187: {  	v55 =	vld.idx.msk [tilespmem:v26+s2+$0x0], $0xffff;
	v15 =	vsub.f32 v16, v53;
	v24 =	vsub.f32 v54, v61;
	v12 =	vmul.f32 v36, v30  }
0x188: {  	v59 =	vld.idx.msk [tilespmem:v25+s2+$0x0], $0xffff;
	v30 =	vadd.s32 v5, v58;
	v22 =	vsub.f32 v14, v22;
	v21 =	vmul.f32 $5.000000000e-01, v21  }
0x189: {  	v26 =	vld.idx.msk [tilespmem:v49+s2+$0x0], $0xffff;
	v58 =	vadd.s32 v4, v51;
	v17 =	vadd.f32 v18, v17;
	v18 =	vadd.f32 $6.666666860e-01, v20  }
0x18a: {  	v9 =	vld.idx.msk [tilespmem:v50+s2+$0x0], $0xffff;
	v20 =	vmul.f32 $5.000000000e-01, v15;
	v43 =	vsub.f32 v43, v13;
	v15 =	vadd.f32 $1.666666720e-01, v21  }
0x18b: {  	v16 =	vld.idx.msk [tilespmem:v48+s2+$0x0], $0xffff;
	v23 =	vmul.f32 $5.000000000e-01, v23;
	v57 =	vadd.f32 $6.666666860e-01, v22;
	v22 =	vadd.f32 $6.666666860e-01, v24  }
0x18c: {  	s14 =	sor.u32 $0x14140, s14;
	v60 =	vadd.s32 v1, v51;
	v14 =	vld.idx.msk [tilespmem:v27+s2+$0x0], $0xffff;
	v27 =	vsub.f32 $1.000000000e+00, v18;
	v21 =	vadd.f32 $1.666666720e-01, v20  }
0x18d: {  	v25 =	vmul.f32 $1.666666720e-01, v63;
	[tilespmem:s14+$0xFFFFFFD0] =	vst v28;
	v24 =	vld.idx.msk [tilespmem:v39+s2+$0x0], $0xffff;
	v28 =	vadd.f32 $1.666666720e-01, v23;
	v61 =	vsub.f32 $1.000000000e+00, v57  }
0x18e: {  	[tilespmem:s14+$0xFFFFFFF0] =	vst v31;
	v29 =	vld.idx.msk [tilespmem:v40+s2+$0x0], $0xffff;
	v20 =	vmul.f32 $1.666666720e-01, v52;
	v38 =	vsub.f32 v43, v38;
	v31 =	vsub.f32 $1.000000000e+00, v22  }
0x18f: {  	[tilespmem:s14+$0x30] =	vst v19;
	v23 =	vmul.f32 $1.666666720e-01, v53;
	v62 =	vsub.f32 v27, v21;
	v27 =	vld.idx.msk [tilespmem:v30+s2+$0x0], $0xffff;
	v63 =	vsub.f32 v61, v28  }
0x190: {  	v30 =	vld.idx.msk [tilespmem:v58+s2+$0x0], $0xffff;
	v19 =	vmul.f32 v57, v59;
	v35 =	vmul.f32 v38, v56;
	v32 =	vsub.f32 v31, v15  }
0x191: {  	s23 =	simm.s32 $0x0;
	s15 =	sadd.s32 $0x80, s25;
	s21 =	smov.u32 s14;
	v28 =	vmul.f32 v28, v55;
	v31 =	vld.idx.msk [tilespmem:v60+s2+$0x0], $0xffff;
	v33 =	vsub.f32 v62, v23;
	v34 =	vsub.f32 v63, v20  }
.LBB2_7:
0x192: {  	v36 =	vld [tilespmem:s15+$0xFFFFFFD0];
	s23 =	sadd.s32 $0x8, s23;
	v24 =	vmul.f32 v25, v24;
	v11 =	vmul.f32 v13, v11;
	v8 =	vadd.f32 v17, v8;
	s14 =	sadd.s32 $0x80, s14  }
0x193: {  	v17 =	vmul.f32 v18, v26;
	v13 =	vld [tilespmem:s15+$0x30];
	p0 =	slt.u32 s23, $0xF8;
	v16 =	vmul.f32 v34, v16;
	v12 =	vadd.f32 v35, v12  }
0x194: {  	v25 =	vsub.f32 v32, v25;
	v22 =	vmul.f32 v22, v29;
	v14 =	vmul.f32 v33, v14;
	v18 =	vld [tilespmem:s15+$0xFFFFFFC0];
	[tilespmem:s21+$0x20] =	vst v8  }
0x195: {  	v15 =	vmul.f32 v15, v30;
	v8 =	vld [tilespmem:s15+$0x20];
	v16 =	vadd.f32 v16, v19;
	v19 =	vmul.f32 v20, v27  }
0x196: {  	v10 =	vmul.f32 v21, v10;
	v14 =	vadd.f32 v14, v17;
	v25 =	vmul.f32 v25, v31;
	v20 =	vld [tilespmem:s15+$0xFFFFFFF0]  }
0x197: {  	v12 =	vadd.f32 v12, v11;
	v21 =	vmul.f32 v36, v6;
	v17 =	vld [tilespmem:s15+$0xFFFFFFE0];
	v16 =	vadd.f32 v16, v28  }
0x198: {  	v9 =	vmul.f32 v23, v9;
	v10 =	vadd.f32 v14, v10;
	v22 =	vadd.f32 v25, v22;
	v26 =	vld [tilespmem:s15+$0x10]  }
0x199: {  	v12 =	vadd.f32 v12, v7;
	v11 =	vmul.f32 v18, v6;
	v18 =	vtrunc.f32 v21;
	v23 =	vld [tilespmem:s15+$0x0]  }
0x19a: {  	v9 =	vadd.f32 v10, v9;
	v25 =	vmul.f32 v8, v6;
	v8 =	vmul.f32 v13, v6  }
0x19b: {  	v10 =	vadd.f32 v22, v15;
	v7 =	vtrunc.f32 v11;
	v20 =	vmul.f32 v20, v6;
	[tilespmem:s21+$0x0] =	vst v12  }
0x19c: {  	v15 =	vadd.f32 v16, v19;
	v12 =	vmul.f32 v17, v6;
	v13 =	vtrunc.f32 v8;
	[tilespmem:s21+$0x10] =	vst v9  }
0x19d: {  	v10 =	vadd.f32 v10, v24;
	v9 =	vtrunc.f32 v20;
	v13 =	vcvt.f32.s32 v13  }
0x19e: {  	v16 =	vtrunc.f32 v25;
	v14 =	vmul.f32 v26, v6;
	[tilespmem:s21+$0xFFFFFFE0] =	vst v15  }
0x19f: {  	v17 =	vmul.f32 v23, v6;
	v15 =	vcvt.s32.f32 v13;
	v19 =	vadd.s32 v4, v13;
	[tilespmem:s21+$0xFFFFFFC0] =	vst v10;
	s21 =	smov.u32 s14  }
0x1a0: {  	v22 =	vcvt.f32.s32 v9;
	v23 =	vcvt.f32.s32 v16;
	v24 =	vadd.s32 v5, v13  }
0x1a1: {  	v16 =	vadd.s32 v1, v13;
	v9 =	vtrunc.f32 v17;
	v15 =	vsub.f32 v8, v15  }
0x1a2: {  	v27 =	vadd.s32 v0, v13;
	v26 =	vcvt.f32.s32 v9;
	v9 =	vcvt.s32.f32 v23  }
0x1a3: {  	v28 =	vadd.s32 v1, v22;
	v8 =	vadd.s32 v4, v22;
	v29 =	vmul.f32 v15, v15  }
0x1a4: {  	v30 =	vcvt.s32.f32 v22;
	v13 =	vadd.s32 v4, v26;
	v25 =	vsub.f32 v25, v9  }
0x1a5: {  	v10 =	vadd.s32 v1, v26;
	v31 =	vmul.f32 v29, v15;
	v32 =	vadd.f32 v29, v15  }
0x1a6: {  	v33 =	vadd.s32 v1, v23;
	v9 =	vadd.s32 v5, v22;
	v34 =	vmul.f32 v25, v25  }
0x1a7: {  	v35 =	vcvt.f32.s32 v18;
	v15 =	vadd.s32 v0, v26;
	v18 =	vsub.f32 v32, v31  }
0x1a8: {  	v32 =	vcvt.s32.f32 v26;
	v36 =	vadd.f32 v34, v25;
	v37 =	vmul.f32 $5.000000000e-01, v31  }
0x1a9: {  	v22 =	vadd.s32 v0, v22;
	v25 =	vmul.f32 v34, v25;
	v18 =	vmul.f32 $5.000000000e-01, v18  }
0x1aa: {  	v30 =	vsub.f32 v20, v30;
	v20 =	vtrunc.f32 v14;
	v29 =	vsub.f32 v37, v29  }
0x1ab: {  	v37 =	vmul.f32 $5.000000000e-01, v25;
	v36 =	vsub.f32 v36, v25;
	v18 =	vadd.f32 $1.666666720e-01, v18  }
0x1ac: {  	v38 =	vcvt.s32.f32 v35;
	v39 =	vmul.f32 v30, v30;
	v29 =	vadd.f32 $6.666666860e-01, v29;
	v40 =	vld.idx.msk [tilespmem:v16+s2+$0x0], $0xffff  }
0x1ad: {  	v32 =	vsub.f32 v17, v32;
	v17 =	vmul.f32 $1.666666720e-01, v31;
	v34 =	vsub.f32 v37, v34;
	v27 =	vld.idx.msk [tilespmem:v27+s2+$0x0], $0xffff  }
0x1ae: {  	v20 =	vcvt.f32.s32 v20;
	v31 =	vmul.f32 v39, v30;
	v37 =	vsub.f32 $1.000000000e+00, v29  }
0x1af: {  	v42 =	vadd.s32 v0, v23;
	v30 =	vadd.f32 v39, v30;
	v41 =	vmul.f32 v32, v32  }
0x1b0: {  	v43 =	vadd.s32 v4, v35;
	v16 =	vadd.s32 v4, v20;
	v37 =	vsub.f32 v37, v18;
	v19 =	vld.idx.msk [tilespmem:v19+s2+$0x0], $0xffff  }
0x1b1: {  	v44 =	vadd.s32 v0, v35;
	v45 =	vmul.f32 $1.666666720e-01, v31;
	v46 =	vmul.f32 v41, v32;
	v22 =	vld.idx.msk [tilespmem:v22+s2+$0x0], $0xffff  }
0x1b2: {  	v47 =	vadd.s32 v1, v35;
	v32 =	vadd.f32 v41, v32;
	v37 =	vsub.f32 v37, v17;
	v24 =	vld.idx.msk [tilespmem:v24+s2+$0x0], $0xffff  }
0x1b3: {  	v21 =	vsub.f32 v21, v38;
	v38 =	vmul.f32 $5.000000000e-01, v46;
	v27 =	vmul.f32 v29, v27  }
0x1b4: {  	v48 =	vadd.s32 v4, v23;
	v29 =	vmul.f32 $5.000000000e-01, v31;
	v37 =	vmul.f32 v37, v40;
	v42 =	vld.idx.msk [tilespmem:v42+s2+$0x0], $0xffff  }
0x1b5: {  	v36 =	vmul.f32 $5.000000000e-01, v36;
	v38 =	vsub.f32 v38, v41;
	v40 =	vld.idx.msk [tilespmem:v43+s2+$0x0], $0xffff;
	v43 =	vmul.f32 v21, v21  }
0x1b6: {  	v30 =	vsub.f32 v30, v31;
	v27 =	vadd.f32 v37, v27;
	v19 =	vmul.f32 v18, v19;
	v41 =	vld.idx.msk [tilespmem:v44+s2+$0x0], $0xffff  }
0x1b7: {  	v29 =	vsub.f32 v29, v39;
	v18 =	vadd.s32 v1, v20;
	v31 =	vld.idx.msk [tilespmem:v47+s2+$0x0], $0xffff;
	v37 =	vadd.f32 v43, v21  }
0x1b8: {  	v30 =	vmul.f32 $5.000000000e-01, v30;
	v21 =	vmul.f32 v43, v21;
	v27 =	vadd.f32 v27, v19  }
0x1b9: {  	v23 =	vadd.s32 v5, v23;
	v34 =	vadd.f32 $6.666666860e-01, v34;
	v19 =	vadd.f32 $6.666666860e-01, v29;
	v29 =	vld.idx.msk [tilespmem:v48+s2+$0x0], $0xffff  }
0x1ba: {  	v38 =	vadd.f32 $6.666666860e-01, v38;
	v39 =	vmul.f32 $5.000000000e-01, v21;
	v37 =	vsub.f32 v37, v21  }
0x1bb: {  	v30 =	vadd.f32 $1.666666720e-01, v30;
	v44 =	vsub.f32 $1.000000000e+00, v34;
	v22 =	vmul.f32 v19, v22;
	v33 =	vld.idx.msk [tilespmem:v33+s2+$0x0], $0xffff  }
0x1bc: {  	v19 =	vsub.f32 $1.000000000e+00, v19;
	v39 =	vsub.f32 v39, v43;
	v37 =	vmul.f32 $5.000000000e-01, v37  }
0x1bd: {  	v26 =	vadd.s32 v5, v26;
	v25 =	vmul.f32 $1.666666720e-01, v25;
	v21 =	vmul.f32 $1.666666720e-01, v21  }
0x1be: {  	v35 =	vadd.s32 v5, v35;
	v36 =	vadd.f32 $1.666666720e-01, v36;
	v39 =	vadd.f32 $6.666666860e-01, v39;
	v23 =	vld.idx.msk [tilespmem:v23+s2+$0x0], $0xffff  }
0x1bf: {  	v47 =	vsub.f32 $1.000000000e+00, v38;
	v48 =	vadd.s32 v0, v20;
	v43 =	vsub.f32 v19, v30;
	v28 =	vld.idx.msk [tilespmem:v28+s2+$0x0], $0xffff  }
0x1c0: {  	v50 =	vtrunc.f32 v12;
	v37 =	vadd.f32 $1.666666720e-01, v37;
	v49 =	vsub.f32 $1.000000000e+00, v39  }
0x1c1: {  	v19 =	vmul.f32 $1.666666720e-01, v46;
	v39 =	vmul.f32 v39, v41;
	v41 =	vadd.s32 v5, v20  }
0x1c2: {  	v49 =	vsub.f32 v49, v37;
	v37 =	vmul.f32 v37, v40;
	v40 =	vsub.f32 v43, v45;
	v26 =	vld.idx.msk [tilespmem:v26+s2+$0x0], $0xffff  }
0x1c3: {  	v44 =	vsub.f32 v44, v36;
	v29 =	vmul.f32 v36, v29;
	v43 =	vcvt.f32.s32 v7;
	v35 =	vld.idx.msk [tilespmem:v35+s2+$0x0], $0xffff  }
0x1c4: {  	v36 =	vcvt.f32.s32 v50;
	v7 =	vsub.f32 v49, v21;
	v49 =	vld.idx.msk [tilespmem:v8+s2+$0x0], $0xffff;
	v8 =	vmul.f32 v25, v23  }
0x1c5: {  	v50 =	vadd.s32 v5, v43;
	v23 =	vcvt.s32.f32 v43;
	v28 =	vmul.f32 v40, v28;
	v51 =	vld.idx.msk [tilespmem:v9+s2+$0x0], $0xffff  }
0x1c6: {  	v40 =	vadd.s32 v0, v43;
	v7 =	vmul.f32 v7, v31;
	v31 =	vcvt.s32.f32 v36;
	v9 =	vld.idx.msk [tilespmem:v41+s2+$0x0], $0xffff  }
0x1c7: {  	v52 =	vadd.s32 v4, v36;
	v41 =	vadd.s32 v1, v36;
	v22 =	vadd.f32 v28, v22  }
0x1c8: {  	v11 =	vsub.f32 v11, v23;
	v23 =	vadd.f32 v7, v39;
	v7 =	vmul.f32 v19, v26  }
0x1c9: {  	v28 =	vsub.f32 v32, v46;
	v26 =	vadd.s32 v0, v36;
	v21 =	vmul.f32 v21, v35  }
0x1ca: {  	v20 =	vcvt.s32.f32 v20;
	v32 =	vmul.f32 v11, v11;
	v23 =	vadd.f32 v23, v37  }
0x1cb: {  	v12 =	vsub.f32 v12, v31;
	v28 =	vmul.f32 $5.000000000e-01, v28;
	v30 =	vmul.f32 v30, v49  }
0x1cc: {  	v14 =	vsub.f32 v14, v20;
	v21 =	vadd.f32 v23, v21;
	v23 =	vmul.f32 v45, v51  }
0x1cd: {  	v31 =	vmul.f32 v32, v11;
	v20 =	vadd.f32 v22, v30;
	v22 =	vsub.f32 v44, v25;
	v15 =	vld.idx.msk [tilespmem:v15+s2+$0x0], $0xffff  }
0x1ce: {  	v25 =	vadd.f32 v32, v11;
	v11 =	vmul.f32 v17, v24;
	[tilespmem:s14+$0xFFFFFFD0] =	vst v21;
	v21 =	vmul.f32 v12, v12  }
0x1cf: {  	v17 =	vadd.f32 v20, v23;
	v20 =	vmul.f32 v14, v14;
	v22 =	vmul.f32 v22, v33  }
0x1d0: {  	v24 =	vmul.f32 v34, v42;
	v23 =	vmul.f32 v21, v12;
	v12 =	vadd.f32 v21, v12  }
0x1d1: {  	v30 =	vmul.f32 v20, v14;
	v14 =	vadd.f32 v20, v14;
	[tilespmem:s14+$0xFFFFFFF0] =	vst v17;
	v17 =	vadd.f32 v27, v11  }
0x1d2: {  	v22 =	vadd.f32 v22, v24;
	v27 =	vmul.f32 $5.000000000e-01, v31;
	v33 =	vmul.f32 $5.000000000e-01, v23;
	v11 =	vld.idx.msk [tilespmem:v13+s2+$0x0], $0xffff  }
0x1d3: {  	v24 =	vsub.f32 v25, v31;
	v35 =	vmul.f32 $5.000000000e-01, v30;
	v25 =	vsub.f32 v12, v23;
	v34 =	vld.idx.msk [tilespmem:v52+s2+$0x0], $0xffff;
	[tilespmem:s14+$0x30] =	vst v17  }
0x1d4: {  	v13 =	vadd.f32 $1.666666720e-01, v28;
	v12 =	vmul.f32 v38, v15;
	v21 =	vsub.f32 v33, v21;
	v37 =	vld.idx.msk [tilespmem:v10+s2+$0x0], $0xffff  }
0x1d5: {  	v28 =	vadd.s32 v5, v36;
	v15 =	vsub.f32 v35, v20;
	v20 =	vsub.f32 v14, v30;
	v10 =	vld.idx.msk [tilespmem:v16+s2+$0x0], $0xffff  }
0x1d6: {  	v24 =	vmul.f32 $5.000000000e-01, v24;
	v17 =	vadd.f32 v22, v29;
	v33 =	vmul.f32 $5.000000000e-01, v25;
	v14 =	vld.idx.msk [tilespmem:v18+s2+$0x0], $0xffff  }
0x1d7: {  	v22 =	vsub.f32 v27, v32;
	v25 =	vmul.f32 $5.000000000e-01, v20;
	v18 =	vadd.f32 $6.666666860e-01, v15;
	v16 =	vld.idx.msk [tilespmem:v41+s2+$0x0], $0xffff  }
0x1d8: {  	v32 =	vadd.s32 v4, v43;
	v15 =	vadd.f32 $1.666666720e-01, v24;
	v36 =	vadd.f32 $6.666666860e-01, v21;
	v35 =	vld.idx.msk [tilespmem:v26+s2+$0x0], $0xffff  }
0x1d9: {  	v38 =	vadd.s32 v1, v43;
	v22 =	vadd.f32 $6.666666860e-01, v22;
	v39 =	vsub.f32 $1.000000000e+00, v18;
	v26 =	vld.idx.msk [tilespmem:v48+s2+$0x0], $0xffff  }
0x1da: {  	v20 =	vmul.f32 $1.666666720e-01, v23;
	v41 =	vsub.f32 v47, v13;
	v21 =	vadd.f32 $1.666666720e-01, v25;
	v24 =	vld.idx.msk [tilespmem:v50+s2+$0x0], $0xffff  }
.Ltmp2:
0x1db: {  	v25 =	vmul.f32 $1.666666720e-01, v31;
	v31 =	vadd.f32 $1.666666720e-01, v33;
	v33 =	vsub.f32 $1.000000000e+00, v36;
	v29 =	vld.idx.msk [tilespmem:v40+s2+$0x0], $0xffff;
	(pc) =	sbr.rel @p0 .LBB2_7-.Ltmp2, $4  }
0x1dc: {  	v23 =	vmul.f32 $1.666666720e-01, v30;
	v39 =	vsub.f32 v39, v21;
	v40 =	vsub.f32 $1.000000000e+00, v22;
	v27 =	vld.idx.msk [tilespmem:v28+s2+$0x0], $0xffff  }
0x1dd: {  	v41 =	vsub.f32 v41, v19;
	v42 =	vsub.f32 v33, v31;
	v28 =	vmul.f32 v31, v34;
	v30 =	vld.idx.msk [tilespmem:v32+s2+$0x0], $0xffff  }
0x1de: {  	v33 =	vsub.f32 v39, v23;
	v32 =	vsub.f32 v40, v15;
	v19 =	vmul.f32 v36, v35;
	v31 =	vld.idx.msk [tilespmem:v38+s2+$0x0], $0xffff  }
0x1df: {  	s15 =	sadd.s32 $0x80, s15;
	v34 =	vsub.f32 v42, v20;
	v35 =	vmul.f32 v41, v37  }
0x1e0: {  	v11 =	vmul.f32 v13, v11;
	v8 =	vadd.f32 v17, v8  }
0x1e1: {  	v55 =	vmul.f32 v18, v26;
	v56 =	vsub.f32 v32, v25;
	v14 =	vmul.f32 v33, v14  }
0x1e2: {  	v57 =	vmul.f32 v22, v29;
	v16 =	vmul.f32 v34, v16;
	v12 =	vadd.f32 v35, v12  }
0x1e3: {  	v10 =	vmul.f32 v21, v10;
	v13 =	vadd.f32 v14, v55;
	v17 =	vmul.f32 v56, v31  }
0x1e4: {  	v9 =	vmul.f32 v23, v9;
	v59 =	vadd.f32 v16, v19;
	v11 =	vadd.f32 v12, v11  }
0x1e5: {  	v58 =	vmul.f32 v15, v30;
	v10 =	vadd.f32 v13, v10;
	v60 =	vadd.f32 v17, v57  }
0x1e6: {  	s14 =	sshll.u32 s4, $0x12;
	s4 =	sadd.s32 $0x1, s4;
	v61 =	vmul.f32 v20, v27;
	v15 =	vadd.f32 v59, v28;
	v7 =	vadd.f32 v11, v7  }
0x1e7: {  	v62 =	vmul.f32 v25, v24;
	p0 =	sne.s32 s4, $0x20;
	[tilespmem:s21+$0x20] =	vst v8;
	v8 =	vadd.f32 v10, v9;
	v63 =	vadd.f32 v60, v58  }
.Ltmp3:
0x1e8: {  	[tilespmem:s21+$0x0] =	vst v7;
	v7 =	vadd.f32 v15, v61;
	(pc) =	sbr.rel @p0 .LBB2_6-.Ltmp3, $4  }
0x1e9: {  	s14 =	sor.u32 s9, s14;
	[tilespmem:s21+$0x10] =	vst v8;
	v8 =	vadd.f32 v63, v62  }
0x1ea: {  	s15 =	sshll.u32 s13, $0xC;
	s25 =	sadd.s32 $0x5, s13;
	s14 =	sshrl.u32 s14, $0x3;
	[tilespmem:s21+$0xFFFFFFE0] =	vst v7  }
0x1eb: {  	s11 =	sadd.s32 $0x1, s11;
	s15 =	sor.u32 $0x14100, s15;
	s14 =	sadd.s32 s5, s14;
	[tilespmem:s21+$0xFFFFFFC0] =	vst v8  }
0x1ec: {  	[hbm4b:s14+s26] =	stream.strided.scatter [tilespmem:s15], [sflag:s25], $0x1000, s28, s26, $0x38;
	[tilespmem:$0x18110] =	vst v63  }
0x1ed: {  	_ =	swait.ge [sflag:s0], $0x1000  }
0x1ee: {  	[sflag:s0] =	ssyncset.done $0x0  }
0x1ef: {  	[sflag:s0] =	ssyncadd.s32 $0xFFFFF000  }
0x1f0: {  	_ =	swait.ge [sflag:s10], $0x1000  }
0x1f1: {  	[sflag:s10] =	ssyncset.done $0x0  }
0x1f2: {  	s17 =	sadd.s32 $0x1, s17;
	[sflag:s10] =	ssyncadd.s32 $0xFFFFF000  }
0x1f3: {  	p0 =	sne.s32 s17, s16;
	_ =	swait.ge [sflag:s3], $0x1000  }
.Ltmp4:
0x1f4: {  	[sflag:s3] =	ssyncset.done $0x0;
	(pc) =	sbr.rel @p0 .LBB2_1-.Ltmp4, $4  }
0x1f5: {  	[sflag:s3] =	ssyncadd.s32 $0xFFFFF000  }
0x1f6: {  	_ =	swait.ge [sflag:s19], $0x1000  }
0x1f7: {  	[sflag:s19] =	ssyncset.done $0x0  }
0x1f8: {  	[sflag:s19] =	ssyncadd.s32 $0xFFFFF000  }
0x1f9: {  	_ =	sfence.sel $0x180000  }
0x1fa: {  	[bflag:$0x0] =	sbarrier.arrive $0xFFFF  }
0x1fb: {  	_ =	strace $0x9000004A  }
0x1fc: {  	s0 =	stileid.u32;
	[bflag:$0x2] =	sbarrier.arrive $0xFFFF  }
0x1fd: {  	p0 =	sne.s32 s0, $0x0;
	s0 =	rddreg [dreg:$0x3]  }
0x1fe: {  	s0 =	sadd.s32 @!p0 $0x100000, s0  }
0x1ff: {  	[sflag:s0] =	ssyncadd.tile.s32 @!p0 $0x1;
	_ =	shalt  }
.Lfunc_end2:
_tile_overlayer_lowered:
.L_overlay_start_2:
0x200: {  	(tag) =	ssettag $0x2  }
0x201: {  	s0 =	rddreg [dreg:$0x0];
	s2 =	stileid.u32  }
0x202: {  	s1 =	rddreg [dreg:$0x1];
	p0 =	sne.s32 s2, $0x0  }
0x203: {  	s3 =	rddreg [dreg:$0x2];
	[bflag:$0x3] =	sbarrier.arrive $0xFFFF;
	s2 =	simm.s32 @!p0 $0x1C09  }
0x204: {  	[timem:s3], [sflag:s2] =	dma.local @!p0 [hbm:s0], s1  }
0x205: {  	s0 =	simm.s32 @!p0 $0x9  }
0x206: {  	_ =	swait.ge @!p0 [sflag:s0], s1  }
0x207: {  	s1 =	ssub.s32 @!p0 $0x0, s1;
	[sflag:s0] =	ssyncset.done @!p0 $0x0  }
0x208: {  	[sflag:s0] =	ssyncadd.s32 @!p0 s1  }
0x209: {  	[bflag:$0x3] =	sbarrier.arrive $0xFFFF  }
0x20a: {  	_ =	shalt  }

// kernel: sparse-core-data-format-call.cloned.1.call-start
scs
called_computation_lowered:
.L_overlay_start_0:
0x0: {  	s2 =	sld [smem:$0x3FD9]  }
0x1: {  	s3 =	sld [smem:$0x3FFE];
	_ =	sdelay $0x1  }
0x2: {  	s1 =	srdreg.scid  }
0x3: {  	s0 =	sand.u32 $0x1, s1  }
0x4: {  	s19 =	sshll.u32 s0, $0xA;
	s2 =	sadd.s32 s3, s2  }
0x5: {  	s2 =	sadd.s32 s2, s19  }
0x6: {  	[smem:$0x3FC6] =	sst s2  }
0x7: {  	_ = 	snop  }
0x8: {  	s2 =	sld [smem:$0x3FC9]  }
0x9: {  	s20 =	sld [smem:$0x3FD0];
	(tm) =	ssettm $0x1  }
0xa: {  	s4 =	sld [smem:$0x3FFB];
	_ =	sdelay $0x3  }
0xb: {  	_ =	strace s4  }
0xc: {  	s4 =	sld [smem:$0x3FFC];
	_ =	sdelay $0x3  }
0xd: {  	_ =	strace s4  }
0xe: {  	s4 =	sld [smem:$0x3FFD];
	_ =	sdelay $0x3  }
0xf: {  	_ =	strace s4  }
0x10: {  	_ =	strace $0x8FFFFFFF  }
0x11: {  	s21 =	sld [smem:$0x3FDB];
	_ =	sdelay $0x1  }
0x12: {  	s5 =	simm.s32 $_scs_section_size  }
0x13: {  	s6 =	simm.s32 $_size__tile_overlayer_lowered;
	s7 =	simm.s32 $_tile_overlayer_lowered  }
0x14: {  	s24 =	simm.s32 $0x1BFF;
	s23 =	sshll.u32 s7, $0x1;
	s4 =	sadd.s32 s5, s21  }
0x15: {  	s8 =	simm.s32 $0x0;
	s22 =	sshll.u32 s6, $0x1;
	s6 =	sadd.s32 s23, s4  }
0x16: {  	[timem:s8], [sflag:s24] =	dma.local [hbm:s6], s22  }
0x17: {  	_ =	swait.ge [sflag:s24], s22  }
0x18: {  	s5 =	ssub.s32 $0x0, s22;
	[sflag:s24] =	ssyncset.done $0x0  }
0x19: {  	[sflag:s24] =	ssyncadd.s32 s5;
	_ =	sdelay $0x1  }
0x1a: {  	s25 =	simm.s32 $0x1B8B  }
0x1b: {  	_ =	swait.ge [sflag:s25], $0x1  }
0x1c: {  	[sflag:s25] =	ssyncset.done $0x0  }
0x1d: {  	s26 =	simm.s32 $0x1B8E;
	[sflag:s25] =	ssyncadd.s32 $0xFFFFFFFF  }
0x1e: {  	s27 =	simm.s32 $execute0_lowered;
	[smem:$0x3FD2] =	sst s26  }
0x1f: {  	s5 =	sshll.u32 s27, $0x1;
	_ =	strace $0x80000046;
	[dreg:$0x1] =	wrdreg $0xFFFFFFFF  }
0x20: {  	s28 =	simm.s32 $_size_execute0_lowered;
	s4 =	sadd.s32 s4, s5;
	[dreg:$0x0] =	wrdreg $0x0  }
0x21: {  	s5 =	sshll.u32 s28, $0x1;
	[dreg:$0x2] =	wrdreg s4  }
0x22: {  	[dreg:$0x3] =	wrdreg s5  }
0x23: {  	[dreg:$0x4] =	wrdreg $0xC0  }
0x24: {  	_ =	task [dreg:s8], $0x5FFFF  }
0x25: {  	[dreg:$0x1] =	wrdreg $0xFFFFFFFF  }
0x26: {  	[dreg:$0x0] =	wrdreg $0x60  }
0x27: {  	[dreg:$0x2] =	wrdreg s2  }
0x28: {  	[dreg:$0x3] =	wrdreg s20  }
0x29: {  	[dreg:$0x4] =	wrdreg $0x9  }
0x2a: {  	_ =	task.clear_ibuf [dreg:s8], $0x5FFFF;
	_ =	strace $0x90000046  }
0x2b: {  	s29 =	simm.s32 $0x9;
	_ =	strace $0x80000048  }
0x2c: {  	_ =	swait.ge [sflag:s29], $0x1  }
0x2d: {  	[sflag:s29] =	ssyncadd.s32 $0xFFFFFFFF  }
0x2e: {  	_ =	strace $0x90000048  }
0x2f: {  	_ =	sfence  }
0x30: {  	s30 =	sld [smem:$0x0];
	_ =	sdelay $0x2  }
0x31: {  	s31 =	sshll.u32 s1, $0xD;
	s1 =	sshrl.u32 s1, $0x2  }
0x32: {  	s3 =	sand.u32 $0x4000, s31;
	s1 =	sadd.s32 s1, s30  }
0x33: {  	s0 =	sor.u32 s3, s0;
	s1 =	sshll.u32 s1, $0x11  }
0x34: {  	s0 =	sor.u32 s1, s0  }
0x35: {  	s0 =	sadd.s32 $0x8F2B, s0  }
0x36: {  	[sflag:s0] =	ssyncadd.remote.s32 $0x1  }
0x37: {  	_ =	sfence.sel $0xFFFF  }
0x38: {  	[dreg:$0x0] =	wrdreg $0xFFFFFFFF;
	(pc) =	sbr.abs _section_cstart, $3  }
0x39: {  	[dreg:$0x1] =	wrdreg $0xFFFFFFFF  }
0x3a: {  	_ =	task.clear_ibuf [dreg:s8], $0x2FFFF;
	_ =	strace $0x9FFFFFFF  }
0x3b: {  	(tm) =	ssettm $0x7FFFFFFF  }
tec
execute0_lowered:
.L_overlay_start_1:
0x0: {  	(tag) =	ssettag $0x1  }
0x1: {  	s0 =	srdreg.scid  }
0x2: {  	s1 =	sshll.u32 s0, $0x4  }
0x3: {  	s2 =	rddreg [dreg:$0x0];
	s0 =	stileid.u32;
	s1 =	sand.u32 $0x10, s1  }
0x4: {  	s4 =	rddreg [dreg:$0x1];
	s1 =	sor.u32 s0, s1  }
0x5: {  	s7 =	simm.s32 $0x1;
	s8 =	simm.s32 $0x2;
	s3 =	sshll.u32 s1, $0x1  }
0x6: {  	s9 =	simm.s32 $0x0;
	s12 =	simm.s32 $0x0;
	s6 =	ssub.s32 $0x400, s3  }
.Ltmp0:
0x7: {  	s11 =	simm.s32 $0x0;
	s5 =	sand.u32 $0x3E, s6;
	(pc) =	sbr.rel .LBB1_1-.Ltmp0, $4  }
0x8: {  	s1 =	rddreg [dreg:$0x2];
	_ =	strace $0x80000047;
	p0 =	sne.s32 s5, $0x0  }
0x9: {  	s6 =	sshrl.u32 s6, $0x6;
	s5 =	simm.s32 $0x1;
	s7 =	simm.s32 @!p0 $0x0  }
0xa: {  	s10 =	smov.u32 s3;
	[sflag:s5] =	ssyncpa.u1 $0x0;
	s6 =	sadd.s32 s7, s6  }
0xb: {  	[sflag:s8] =	ssyncpa.u1 $0x0;
	s8 =	simm.s32 $0x0;
	s7 =	sadd.s32 $0x1, s6  }
.LBB1_9:
0xc: {  	s14 =	sadd.s32 $0x40, s10  }
0xd: {  	p1 =	sgt.s32 s14, $0x3FF  }
0xe: {  	s14 =	smov.u32 @p1 s3;
	p1 =	sne.s32 s11, s7  }
.Ltmp1:
0xf: {  	p0 =	slt.u32 s11, $0x2;
	(pc) =	sbr.rel @!p1 .LBB1_10-.Ltmp1, $4  }
0x10: {  	s13 =	simm.s32 @!p0 $0x2  }
0x11: {  	s15 =	sadd.s32 $0x1, s11;
	_ =	swait.ge @!p0 [sflag:s13], $0x4000  }
0x12: {  	s12 =	smov.u32 s10;
	s9 =	sadd.s32 $0x4000, s9;
	[sflag:s13] =	ssyncset.done @!p0 $0x0  }
0x13: {  	s11 =	smov.u32 s15;
	s10 =	smov.u32 s14;
	[sflag:s13] =	ssyncadd.s32 @!p0 $0xFFFFC000  }
.LBB1_1:
0x14: {  	p0 =	sge.u32 s11, s6  }
0x15: {  	s13 =	sxor.u32 @!p0 $0xFFFFFFFF, s11  }
0x16: {  	s31 =	sadd.s32 $0xFFFFFFFF, s11;
	s14 =	sshll.u32 @!p0 s10, $0xA;
	s13 =	sshll.u32 @!p0 s13, $0xE  }
0x17: {  	s15 =	simm.s32 @!p0 $0x0;
	s14 =	sadd.s32 @!p0 s2, s14;
	s13 =	sand.u32 @!p0 $0x4000, s13  }
0x18: {  	[tilespmem:s13], [sflag:$0x1] =	stream.linear.gather @!p0 [hbm4b:s14+s15], $0x4000, $0x38;
	[tilespmem:$0x10000] =	vst v63  }
0x19: {  	p0 =	sge.u32 s31, s6  }
.Ltmp2:
0x1a: {  	_ = 	snop;
	(pc) =	sbr.rel @p0 .LBB1_9-.Ltmp2, $1  }
0x1b: {  	_ =	sdelay $0x3  }
0x1c: {  	s13 =	sshll.u32 s9, $0x2  }
0x1d: {  	_ =	swait.ge [sflag:s5], $0x4000;
	s14 =	sshll.u32 s11, $0xE;
	s16 =	simm.s32 $0x0  }
0x1e: {  	p1 =	por $0x1, $0x1;
	s13 =	sand.u32 $0x10000, s13;
	[sflag:s5] =	ssyncset.done $0x0  }
0x1f: {  	s14 =	sand.u32 $0x4000, s14;
	s15 =	sshrl.u32 s13, $0x2;
	[sflag:s5] =	ssyncadd.s32 $0xFFFFC000  }
0x20: {  	s13 =	sor.u32 $0x8000, s14;
	s14 =	sadd.s32 $0x8040, s15;
	s15 =	sadd.s32 $0x40, s15  }
.LBB1_3:
0x21: {  	s16 =	sshll.u32 s16, $0x2  }
0x22: {  	p0 =	por p1, p1;
	s17 =	sshra.s32 s16, $0x2  }
0x23: {  	s18 =	simm.s32 $0x0;
	s16 =	sadd.s32 s17, s14;
	s17 =	sadd.s32 s17, s15  }
.LBB1_4:
0x24: {  	v0 =	vmov s17;
	_ =	sdelay $0x3  }
0x25: {  	s20 =	simm.s32 $0x0  }
0x26: {  	v6 =	vld.idx.msk [tilespmem:v0+s20+$0x30 ss:$0x1], $0xffff  }
0x27: {  	v7 =	vld.idx.msk [tilespmem:v0+s20+$0xFFFFFFC0 ss:$0x1], $0xffff  }
0x28: {  	v5 =	vld.idx.msk [tilespmem:v0+s20+$0xFFFFFFD0 ss:$0x1], $0xffff  }
0x29: {  	v4 =	vld.idx.msk [tilespmem:v0+s20+$0xFFFFFFE0 ss:$0x1], $0xffff  }
0x2a: {  	v3 =	vld.idx.msk [tilespmem:v0+s20+$0xFFFFFFF0 ss:$0x1], $0xffff  }
0x2b: {  	v1 =	vld.idx.msk [tilespmem:v0+s20+$0x0 ss:$0x1], $0xffff  }
0x2c: {  	v2 =	vld.idx.msk [tilespmem:v0+s20+$0x10 ss:$0x1], $0xffff;
	[tilespmem:s16+$0x30] =	vst v6  }
0x2d: {  	s19 =	simm.s32 $0x80;
	s21 =	simm.s32 $0x400;
	[tilespmem:s16+$0xFFFFFFC0] =	vst v7;
	v6 =	vld.idx.msk [tilespmem:v0+s20+$0x20 ss:$0x1], $0xffff;
	s20 =	smov.u32 s16  }
.LBB1_5:
0x2e: {  	p1 =	sne.s32 s21, $0xE00;
	v7 =	vld.idx.msk [tilespmem:v0+s19+$0x30 ss:$0x1], $0xffff;
	[tilespmem:s20+$0xFFFFFFD0] =	vst v5  }
0x2f: {  	v8 =	vld.idx.msk [tilespmem:v0+s19+$0xFFFFFFC0 ss:$0x1], $0xffff;
	[tilespmem:s20+$0xFFFFFFE0] =	vst v4  }
0x30: {  	v5 =	vld.idx.msk [tilespmem:v0+s19+$0xFFFFFFD0 ss:$0x1], $0xffff;
	[tilespmem:s20+$0xFFFFFFF0] =	vst v3  }
.Ltmp3:
0x31: {  	v4 =	vld.idx.msk [tilespmem:v0+s19+$0xFFFFFFE0 ss:$0x1], $0xffff;
	[tilespmem:s20+$0x0] =	vst v1;
	(pc) =	sbr.rel @p1 .LBB1_5-.Ltmp3, $4  }
0x32: {  	v3 =	vld.idx.msk [tilespmem:v0+s19+$0xFFFFFFF0 ss:$0x1], $0xffff;
	[tilespmem:s20+$0x10] =	vst v2  }
0x33: {  	v1 =	vld.idx.msk [tilespmem:v0+s19+$0x0 ss:$0x1], $0xffff;
	[tilespmem:s20+$0x20] =	vst v6;
	s20 =	sadd.s32 $0x400, s20  }
0x34: {  	v2 =	vld.idx.msk [tilespmem:v0+s19+$0x10 ss:$0x1], $0xffff;
	[tilespmem:s20+$0x30] =	vst v7  }
0x35: {  	[tilespmem:s20+$0xFFFFFFC0] =	vst v8;
	v6 =	vld.idx.msk [tilespmem:v0+s19+$0x20 ss:$0x1], $0xffff;
	s19 =	sshra.s32 s21, $0x2;
	s21 =	sadd.s32 $0x200, s21  }
0x36: {  	_ =	sdelay $0x2  }
0x37: {  	[tilespmem:s20+$0xFFFFFFD0] =	vst v5  }
0x38: {  	v56 =	vld.idx.msk [tilespmem:v0+s19+$0x30 ss:$0x1], $0xffff;
	[tilespmem:s20+$0xFFFFFFE0] =	vst v4  }
0x39: {  	v57 =	vld.idx.msk [tilespmem:v0+s19+$0xFFFFFFC0 ss:$0x1], $0xffff;
	[tilespmem:s20+$0xFFFFFFF0] =	vst v3  }
0x3a: {  	v58 =	vld.idx.msk [tilespmem:v0+s19+$0xFFFFFFD0 ss:$0x1], $0xffff;
	[tilespmem:s20+$0x0] =	vst v1  }
0x3b: {  	v59 =	vld.idx.msk [tilespmem:v0+s19+$0xFFFFFFE0 ss:$0x1], $0xffff;
	[tilespmem:s20+$0x10] =	vst v2  }
0x3c: {  	v60 =	vld.idx.msk [tilespmem:v0+s19+$0xFFFFFFF0 ss:$0x1], $0xffff;
	s31 =	sadd.s32 $0x400, s20;
	[tilespmem:s20+$0x20] =	vst v6  }
0x3d: {  	v61 =	vld.idx.msk [tilespmem:v0+s19+$0x0 ss:$0x1], $0xffff;
	[tilespmem:s31+$0x30] =	vst v56  }
0x3e: {  	v62 =	vld.idx.msk [tilespmem:v0+s19+$0x10 ss:$0x1], $0xffff;
	s18 =	sadd.s32 $0x1, s18;
	[tilespmem:s31+$0xFFFFFFC0] =	vst v57  }
0x3f: {  	v63 =	vld.idx.msk [tilespmem:v0+s19+$0x20 ss:$0x1], $0xffff;
	p1 =	sne.s32 s18, $0x8;
	[tilespmem:s31+$0xFFFFFFD0] =	vst v58  }
.Ltmp4:
0x40: {  	[tilespmem:s31+$0xFFFFFFE0] =	vst v59;
	(pc) =	sbr.rel @p1 .LBB1_4-.Ltmp4, $4  }
0x41: {  	[tilespmem:s31+$0xFFFFFFF0] =	vst v60  }
0x42: {  	[tilespmem:s31+$0x0] =	vst v61  }
0x43: {  	[tilespmem:s31+$0x10] =	vst v62  }
0x44: {  	s16 =	sadd.s32 $0x80, s16;
	s17 =	sadd.s32 $0x400, s17;
	[tilespmem:s31+$0x20] =	vst v63  }
.Ltmp5:
0x45: {  	(pc) =	sbr.rel @p0 .LBB1_3-.Ltmp5, $2  }
0x46: {  	_ =	sdelay $0x2  }
0x47: {  	s16 =	simm.s32 $0x2000;
	p1 =	por $0x0, $0x0  }
.Ltmp6:
0x48: {  	(pc) =	sbr.rel .LBB1_9-.Ltmp6, $4  }
0x49: {  	_ = 	snop  }
0x4a: {  	s12 =	sshll.u32 s12, $0xA  }
0x4b: {  	s12 =	sadd.s32 s4, s12  }
0x4c: {  	[hbm4b:s12+s8] =	stream.linear.scatter [tilespmem:s13], [sflag:$0x2], $0x4000, $0x38;
	[tilespmem:$0x10000] =	vst v63  }
.LBB1_10:
0x4d: {  	_ =	sfence.sel $0x180000  }
0x4e: {  	s2 =	simm.s32 $0x1;
	[bflag:$0x0] =	sbarrier.arrive $0xFFFF  }
0x4f: {  	s31 =	simm.s32 $0x2;
	[sflag:s2] =	ssyncpa.u1 $0x1  }
0x50: {  	[sflag:s31] =	ssyncpa.u1 $0x1  }
0x51: {  	p0 =	sne.s32 s0, $0x0;
	_ =	strace $0x90000047  }
0x52: {  	s0 =	sadd.s32 @!p0 $0x100000, s1;
	[bflag:$0x2] =	sbarrier.arrive $0xFFFF  }
0x53: {  	[sflag:s0] =	ssyncadd.tile.s32 @!p0 $0x1;
	_ =	shalt  }
.Lfunc_end1:
_tile_overlayer_lowered:
.L_overlay_start_2:
0x54: {  	(tag) =	ssettag $0x2  }
0x55: {  	s0 =	rddreg [dreg:$0x0];
	s2 =	stileid.u32  }
0x56: {  	s1 =	rddreg [dreg:$0x1];
	p0 =	sne.s32 s2, $0x0  }
0x57: {  	s3 =	rddreg [dreg:$0x2];
	[bflag:$0x3] =	sbarrier.arrive $0xFFFF;
	s2 =	simm.s32 @!p0 $0x1C01  }
0x58: {  	[timem:s3], [sflag:s2] =	dma.local @!p0 [hbm:s0], s1  }
0x59: {  	s0 =	simm.s32 @!p0 $0x1  }
0x5a: {  	_ =	swait.ge @!p0 [sflag:s0], s1  }
0x5b: {  	s1 =	ssub.s32 @!p0 $0x0, s1;
	[sflag:s0] =	ssyncset.done @!p0 $0x0  }
0x5c: {  	[sflag:s0] =	ssyncadd.s32 @!p0 s1  }
0x5d: {  	[bflag:$0x3] =	sbarrier.arrive $0xFFFF  }
0x5e: {  	_ =	shalt  }

</sc_bundles>
